<compile_context>
chip_gen: v7x
topology: tpu7x:2x2x1
jax: 0.10.2.dev20260603
libtpu: 0.0.44.dev20260713+nightly
codegen_flags: <defaults>
</compile_context>

<pallas_src>
import functools

import jax
import jax.numpy as jnp
from jax import lax
from jax.experimental import pallas as pl
from jax.experimental.pallas import tpu as pltpu
from jax.experimental.pallas import tpu_sc as plsc

N = 10000
H = 128
NC, NS = 2, 16
NW = NC * NS
K = 128
ROW_T = 632
N_PAD = NS * ROW_T
BM = 1000


def _sc_edge_pass(message, src, dst, zeros_tile):
    C = src.shape[0] // (NW * K)
    mesh = plsc.VectorSubcoreMesh(
        core_axis_name="c", subcore_axis_name="s", num_cores=NC, num_subcores=NS
    )

    @functools.partial(
        pl.kernel,
        out_type=jax.ShapeDtypeStruct((NC, N_PAD, H), jnp.float32),
        mesh=mesh,
        scratch_types=[
            pltpu.VMEM((K,), jnp.int32),
            pltpu.VMEM((K,), jnp.int32),
            pltpu.VMEM((K, H), jnp.float32),
            pltpu.VMEM_SHARED((N_PAD, H), jnp.float32),
            pltpu.SemaphoreType.DMA,
        ],
    )
    def k(msg_hbm, src_hbm, dst_hbm, zeros_hbm, out_hbm, idx_s, idx_d, rows, agg, gsem):
        c = lax.axis_index("c")
        s = lax.axis_index("s")
        wid = c * NS + s
        r0 = s * ROW_T
        base0 = wid * C * K
        pltpu.sync_copy(zeros_hbm, agg.at[pl.ds(r0, ROW_T)])
        plsc.subcore_barrier()

        def body(j, carry):
            base = base0 + j * K
            pltpu.sync_copy(src_hbm.at[pl.ds(base, K)], idx_s)
            pltpu.async_copy(msg_hbm.at[idx_s], rows, gsem).wait()
            pltpu.sync_copy(dst_hbm.at[pl.ds(base, K)], idx_d)
            pltpu.sync_copy(rows, agg.at[idx_d], add=True)
            return carry

        lax.fori_loop(0, C, body, 0)
        plsc.subcore_barrier()
        pltpu.sync_copy(agg.at[pl.ds(r0, ROW_T)], out_hbm.at[c, pl.ds(r0, ROW_T)])

    return k(message, src, dst, zeros_tile)


def _row_specs(n):
    return [pl.BlockSpec((BM, H), lambda i: (i, 0)) for _ in range(n)]


def _w_specs(n):
    return [pl.BlockSpec((H, H), lambda i: (0, 0)), pl.BlockSpec((1, H), lambda i: (0, 0))] * n


def _mm(x, w, b):
    return jnp.dot(x, w, preferred_element_type=jnp.float32) + b


def _tc_in_body(z_ref, wi_ref, bi_ref, wm_ref, bm_ref, state_ref, msg_ref):
    s = jnp.maximum(_mm(z_ref[...], wi_ref[...], bi_ref[...]), 0.0)
    state_ref[...] = s
    msg_ref[...] = jnp.maximum(_mm(s, wm_ref[...], bm_ref[...]), 0.0)


def _tc_upd_body(state_ref, p_ref, wu_ref, bu_ref, wm_ref, bm_ref, state_out, msg_ref):
    agg = p_ref[0] + p_ref[1]
    s = state_ref[...] + jnp.maximum(_mm(agg, wu_ref[...], bu_ref[...]), 0.0)
    state_out[...] = s
    msg_ref[...] = jnp.maximum(_mm(s, wm_ref[...], bm_ref[...]), 0.0)


def _tc_fin_body(state_ref, p_ref, wu_ref, bu_ref, wo_ref, bo_ref, out_ref):
    agg = p_ref[0] + p_ref[1]
    s = state_ref[...] + jnp.maximum(_mm(agg, wu_ref[...], bu_ref[...]), 0.0)
    out_ref[...] = _mm(s, wo_ref[...], bo_ref[...])


_PART_SPEC = pl.BlockSpec((NC, BM, H), lambda i: (0, i, 0))
_GRID = (N // BM,)
_ROW_SHAPE = jax.ShapeDtypeStruct((N, H), jnp.float32)


def kernel(z, edge_index, W_in, b_in, W_msg, b_msg, W_upd, b_upd, W_out, b_out):
    src = edge_index[0]
    dst = edge_index[1]
    E = src.shape[0]
    blk = NW * K
    E_pad = ((E + blk - 1) // blk) * blk
    pad = E_pad - E
    if pad:
        src = jnp.concatenate([src, jnp.zeros((pad,), jnp.int32)])
        dst = jnp.concatenate([dst, jnp.full((pad,), N, jnp.int32)])
    zeros_tile = jnp.zeros((ROW_T, H), jnp.float32)

    b_in2 = b_in.reshape(1, H)
    rounds = W_msg.shape[0]

    state, msg = pl.pallas_call(
        _tc_in_body,
        grid=_GRID,
        in_specs=_row_specs(1) + _w_specs(2),
        out_specs=_row_specs(2),
        out_shape=(_ROW_SHAPE, _ROW_SHAPE),
    )(z, W_in, b_in2, W_msg[0], b_msg[0].reshape(1, H))

    for r in range(rounds - 1):
        partials = _sc_edge_pass(msg, src, dst, zeros_tile)
        state, msg = pl.pallas_call(
            _tc_upd_body,
            grid=_GRID,
            in_specs=_row_specs(1) + [_PART_SPEC] + _w_specs(2),
            out_specs=_row_specs(2),
            out_shape=(_ROW_SHAPE, _ROW_SHAPE),
        )(state, partials, W_upd[r], b_upd[r].reshape(1, H),
          W_msg[r + 1], b_msg[r + 1].reshape(1, H))

    partials = _sc_edge_pass(msg, src, dst, zeros_tile)
    W_out_pad = jnp.zeros((H, H), jnp.float32).at[:, : W_out.shape[1]].set(W_out)
    b_out_pad = jnp.zeros((1, H), jnp.float32).at[0, : b_out.shape[0]].set(b_out)
    out = pl.pallas_call(
        _tc_fin_body,
        grid=_GRID,
        in_specs=_row_specs(1) + [_PART_SPEC] + _w_specs(2),
        out_specs=_row_specs(1)[0],
        out_shape=_ROW_SHAPE,
    )(state, partials, W_upd[rounds - 1], b_upd[rounds - 1].reshape(1, H),
      W_out_pad, b_out_pad)
    return out[:, : W_out.shape[1]]

# --- scband reference (transcript-rebuilt; emitter-appended) ---
"""Pipeline reference for scband-graph-decoder-30047591203218 (READ-ONLY COPY).

The authoritative reference and input builder live on the scoring server;
editing this copy changes nothing except your own understanding.
"""

import jax, jax.numpy as jnp
import numpy as np

N = 10000
E = 320000
LATENT = 128
HIDDEN = 128
FEAT = 7
ROUNDS = 3


def setup_inputs(seed: int = 0) -> dict:
    key = jax.random.key(seed)
    ks = jax.random.split(key, 12)
    s_in = 1.0 / np.sqrt(LATENT)
    s_h = 1.0 / np.sqrt(HIDDEN)
    z = jax.random.normal(ks[0], (N, LATENT), dtype=jnp.float32)
    edge_index = jax.random.randint(ks[1], (2, E), 0, N, dtype=jnp.int32)
    W_in = jax.random.normal(ks[2], (LATENT, HIDDEN), dtype=jnp.float32) * s_in
    b_in = jnp.zeros((HIDDEN,), dtype=jnp.float32)
    W_msg = jax.random.normal(ks[3], (ROUNDS, HIDDEN, HIDDEN), dtype=jnp.float32) * s_h
    b_msg = jnp.zeros((ROUNDS, HIDDEN), dtype=jnp.float32)
    W_upd = jax.random.normal(ks[4], (ROUNDS, HIDDEN, HIDDEN), dtype=jnp.float32) * s_h
    b_upd = jnp.zeros((ROUNDS, HIDDEN), dtype=jnp.float32)
    W_out = jax.random.normal(ks[5], (HIDDEN, FEAT), dtype=jnp.float32) * s_h
    b_out = jnp.zeros((FEAT,), dtype=jnp.float32)
    return {
        "z": z,
        "edge_index": edge_index,
        "W_in": W_in,
        "b_in": b_in,
        "W_msg": W_msg,
        "b_msg": b_msg,
        "W_upd": W_upd,
        "b_upd": b_upd,
        "W_out": W_out,
        "b_out": b_out,
    }


def reference(z, edge_index, W_in, b_in, W_msg, b_msg, W_upd, b_upd, W_out, b_out):
    # decode_nodes: GNN message passing on latent embeddings -> node feature logits
    src = edge_index[0]
    dst = edge_index[1]
    num_nodes = z.shape[0]
    state = jax.nn.relu(z @ W_in + b_in)
    rounds = W_msg.shape[0]
    for r in range(rounds):
        message = jax.nn.relu(state @ W_msg[r] + b_msg[r])
        gathered = jnp.take(message, src, axis=0)
        aggregated = jnp.zeros((num_nodes, state.shape[1]), dtype=state.dtype).at[dst].add(gathered)
        state = state + jax.nn.relu(aggregated @ W_upd[r] + b_upd[r])
    return state @ W_out + b_out

if __name__ == "__main__":
    import jax
    _d = setup_inputs()
    print(jax.jit(kernel)(*tuple(_d.values())))

</pallas_src>

<mosaic_0001>
#map = affine_map<(d0, d1) -> (0, 0)>
#map1 = affine_map<(d0, d1) -> (0)>
#map2 = affine_map<(d0, d1) -> (0, 0, 0)>
module attributes {stable_mosaic.version = 14 : i64} {
  func.func @k(%arg0: i32, %arg1: i32, %arg2: memref<10000x128xf32, #tpu.memory_space<hbm>>, %arg3: memref<323584xi32, #tpu.memory_space<hbm>>, %arg4: memref<323584xi32, #tpu.memory_space<hbm>>, %arg5: memref<632x128xf32, #tpu.memory_space<hbm>>, %arg6: memref<2x10112x128xf32, #tpu.memory_space<hbm>>, %arg7: memref<128xi32, #tpu.memory_space<vmem>>, %arg8: memref<128xi32, #tpu.memory_space<vmem>>, %arg9: memref<128x128xf32, #tpu.memory_space<vmem>>, %arg10: memref<10112x128xf32, #tpu.memory_space<vmem_shared>>, %arg11: memref<!tpu.dma_semaphore, #tpu.memory_space<semaphore_mem>>) attributes {dimension_semantics = [#tpu.dimension_semantics<core_parallel>, #tpu.dimension_semantics<subcore_parallel>], iteration_bounds = array<i64: 2, 16>, scalar_prefetch = 0 : i64, scratch_operands = 5 : i64, tpu.core_type = #tpu.core_type<sc_vector_subcore>, window_params = [{transform_indices = #map}, {transform_indices = #map1}, {transform_indices = #map1}, {transform_indices = #map}, {transform_indices = #map2}]} {
    %mul3A = arith.constant 16 : i32
    %mul3A_0 = arith.muli %arg0, %mul3A : i32
    %add3A = arith.addi %mul3A_0, %arg1 : i32
    %mul3A_1 = arith.constant 632 : i32
    %mul3A_2 = arith.muli %arg1, %mul3A_1 : i32
    %mul3A_3 = arith.constant 79 : i32
    %mul3A_4 = arith.muli %add3A, %mul3A_3 : i32
    %mul3A_5 = arith.constant 128 : i32
    %mul3A_6 = arith.muli %mul3A_4, %mul3A_5 : i32
    "tpu.region"() ({
      %run_scoped3A = tpu.sem_alloc : memref<!tpu.dma_semaphore, #tpu.memory_space<semaphore_mem>>
      %dma_start3A = arith.constant 0 : i32
      %dma_start3A_13 = tpu.memref_slice %arg10[%mul3A_2, %dma_start3A] : memref<10112x128xf32, #tpu.memory_space<vmem_shared>> -> memref<632x128xf32, #tpu.memory_space<vmem_shared>>
      tpu.enqueue_dma source(%arg5 : memref<632x128xf32, #tpu.memory_space<hbm>>) target(%dma_start3A_13 : memref<632x128xf32, #tpu.memory_space<vmem_shared>>) target_semaphore(%run_scoped3A : memref<!tpu.dma_semaphore, #tpu.memory_space<semaphore_mem>>)
      %dma_wait3A = arith.constant 0 : i32
      %dma_wait3A_14 = tpu.memref_slice %arg10[%mul3A_2, %dma_wait3A] : memref<10112x128xf32, #tpu.memory_space<vmem_shared>> -> memref<632x128xf32, #tpu.memory_space<vmem_shared>>
      tpu.wait_dma2 semaphore(%run_scoped3A : memref<!tpu.dma_semaphore, #tpu.memory_space<semaphore_mem>>) src(%arg5 : memref<632x128xf32, #tpu.memory_space<hbm>>) dst(%dma_wait3A_14 : memref<632x128xf32, #tpu.memory_space<vmem_shared>>)
      tpu.yield
    }) : () -> ()
    %barrier3A = arith.constant 0 : index
    tpu.barrier barrier_id(%barrier3A)
    %scan3A = arith.constant 0 : i32
    %scan3A_7 = arith.constant 0 : i32
    %scan3A_8 = arith.constant 79 : i32
    %scan3A_9 = arith.addi %scan3A_7, %scan3A_8 : i32
    %scan3A_10 = arith.constant 1 : i32
    scf.for %scan3A_13 = %scan3A_7 to %scan3A_9 step %scan3A_10  : i32 {
      %mul3A_14 = arith.constant 128 : i32
      %mul3A_15 = arith.muli %scan3A_13, %mul3A_14 : i32
      %add3A_16 = arith.addi %mul3A_6, %mul3A_15 : i32
      "tpu.region"() ({
        %run_scoped3A = tpu.sem_alloc : memref<!tpu.dma_semaphore, #tpu.memory_space<semaphore_mem>>
        %dma_start3A_21 = tpu.memref_slice %arg3[%add3A_16] : memref<323584xi32, #tpu.memory_space<hbm>> -> memref<128xi32, #tpu.memory_space<hbm>>
        %dma_start3A_22 = tpu.memref_slice %arg3[%add3A_16] : memref<323584xi32, #tpu.memory_space<hbm>> -> memref<128xi32, #tpu.memory_space<hbm>>
        tpu.enqueue_dma source(%dma_start3A_22 : memref<128xi32, #tpu.memory_space<hbm>>) target(%arg7 : memref<128xi32, #tpu.memory_space<vmem>>) target_semaphore(%run_scoped3A : memref<!tpu.dma_semaphore, #tpu.memory_space<semaphore_mem>>)
        %dma_wait3A_23 = tpu.memref_slice %arg3[%add3A_16] : memref<323584xi32, #tpu.memory_space<hbm>> -> memref<128xi32, #tpu.memory_space<hbm>>
        %dma_wait3A_24 = tpu.memref_slice %arg3[%add3A_16] : memref<323584xi32, #tpu.memory_space<hbm>> -> memref<128xi32, #tpu.memory_space<hbm>>
        tpu.wait_dma2 semaphore(%run_scoped3A : memref<!tpu.dma_semaphore, #tpu.memory_space<semaphore_mem>>) src(%dma_wait3A_24 : memref<128xi32, #tpu.memory_space<hbm>>) dst(%arg7 : memref<128xi32, #tpu.memory_space<vmem>>)
        tpu.yield
      }) : () -> ()
      %dma_start3A = arith.constant 0 : i32
      %dma_start3A_17 = arith.constant 0 : i32
      %dma_start3A_18 = tpu.memref_slice %arg2[%dma_start3A, %dma_start3A_17] : memref<10000x128xf32, #tpu.memory_space<hbm>> -> memref<10000x128xf32, #tpu.memory_space<hbm>>
      tpu.enqueue_indirect_dma source(%dma_start3A_18 : memref<10000x128xf32, #tpu.memory_space<hbm>>) target(%arg9 : memref<128x128xf32, #tpu.memory_space<vmem>>) offsets(%arg7 : memref<128xi32, #tpu.memory_space<vmem>>) semaphore(%arg11 : memref<!tpu.dma_semaphore, #tpu.memory_space<semaphore_mem>>)
      %dma_wait3A = arith.constant 0 : i32
      %dma_wait3A_19 = arith.constant 0 : i32
      %dma_wait3A_20 = tpu.memref_slice %arg2[%dma_wait3A, %dma_wait3A_19] : memref<10000x128xf32, #tpu.memory_space<hbm>> -> memref<10000x128xf32, #tpu.memory_space<hbm>>
      tpu.wait_indirect_dma semaphore(%arg11 : memref<!tpu.dma_semaphore, #tpu.memory_space<semaphore_mem>>) src(%dma_wait3A_20 : memref<10000x128xf32, #tpu.memory_space<hbm>>) dst(%arg9 : memref<128x128xf32, #tpu.memory_space<vmem>>)
      "tpu.region"() ({
        %run_scoped3A = tpu.sem_alloc : memref<!tpu.dma_semaphore, #tpu.memory_space<semaphore_mem>>
        %dma_start3A_21 = tpu.memref_slice %arg4[%add3A_16] : memref<323584xi32, #tpu.memory_space<hbm>> -> memref<128xi32, #tpu.memory_space<hbm>>
        %dma_start3A_22 = tpu.memref_slice %arg4[%add3A_16] : memref<323584xi32, #tpu.memory_space<hbm>> -> memref<128xi32, #tpu.memory_space<hbm>>
        tpu.enqueue_dma source(%dma_start3A_22 : memref<128xi32, #tpu.memory_space<hbm>>) target(%arg8 : memref<128xi32, #tpu.memory_space<vmem>>) target_semaphore(%run_scoped3A : memref<!tpu.dma_semaphore, #tpu.memory_space<semaphore_mem>>)
        %dma_wait3A_23 = tpu.memref_slice %arg4[%add3A_16] : memref<323584xi32, #tpu.memory_space<hbm>> -> memref<128xi32, #tpu.memory_space<hbm>>
        %dma_wait3A_24 = tpu.memref_slice %arg4[%add3A_16] : memref<323584xi32, #tpu.memory_space<hbm>> -> memref<128xi32, #tpu.memory_space<hbm>>
        tpu.wait_dma2 semaphore(%run_scoped3A : memref<!tpu.dma_semaphore, #tpu.memory_space<semaphore_mem>>) src(%dma_wait3A_24 : memref<128xi32, #tpu.memory_space<hbm>>) dst(%arg8 : memref<128xi32, #tpu.memory_space<vmem>>)
        tpu.yield
      }) : () -> ()
      "tpu.region"() ({
        %run_scoped3A = tpu.sem_alloc : memref<!tpu.dma_semaphore, #tpu.memory_space<semaphore_mem>>
        %dma_start3A_21 = arith.constant 0 : i32
        %dma_start3A_22 = arith.constant 0 : i32
        %dma_start3A_23 = tpu.memref_slice %arg10[%dma_start3A_21, %dma_start3A_22] : memref<10112x128xf32, #tpu.memory_space<vmem_shared>> -> memref<10112x128xf32, #tpu.memory_space<vmem_shared>>
        tpu.enqueue_indirect_dma source(%arg9 : memref<128x128xf32, #tpu.memory_space<vmem>>) target(%dma_start3A_23 : memref<10112x128xf32, #tpu.memory_space<vmem_shared>>) offsets(%arg8 : memref<128xi32, #tpu.memory_space<vmem>>) semaphore(%run_scoped3A : memref<!tpu.dma_semaphore, #tpu.memory_space<semaphore_mem>>) {add = true}
        %dma_wait3A_24 = arith.constant 0 : i32
        %dma_wait3A_25 = arith.constant 0 : i32
        %dma_wait3A_26 = tpu.memref_slice %arg10[%dma_wait3A_24, %dma_wait3A_25] : memref<10112x128xf32, #tpu.memory_space<vmem_shared>> -> memref<10112x128xf32, #tpu.memory_space<vmem_shared>>
        tpu.wait_indirect_dma semaphore(%run_scoped3A : memref<!tpu.dma_semaphore, #tpu.memory_space<semaphore_mem>>) src(%arg9 : memref<128x128xf32, #tpu.memory_space<vmem>>) dst(%dma_wait3A_26 : memref<10112x128xf32, #tpu.memory_space<vmem_shared>>)
        tpu.yield
      }) : () -> ()
    }
    %scan3A_11 = arith.constant 79 : i32
    %barrier3A_12 = arith.constant 0 : index
    tpu.barrier barrier_id(%barrier3A_12)
    "tpu.region"() ({
      %run_scoped3A = tpu.sem_alloc : memref<!tpu.dma_semaphore, #tpu.memory_space<semaphore_mem>>
      %dma_start3A = arith.constant 0 : i32
      %dma_start3A_13 = tpu.memref_slice %arg6[%arg0, %mul3A_2, %dma_start3A] : memref<2x10112x128xf32, #tpu.memory_space<hbm>> -> memref<1x632x128xf32, #tpu.memory_space<hbm>>
      %dma_start3A_14 = tpu.memref_squeeze %dma_start3A_13 : memref<1x632x128xf32, #tpu.memory_space<hbm>> -> memref<632x128xf32, #tpu.memory_space<hbm>>
      %dma_start3A_15 = arith.constant 0 : i32
      %dma_start3A_16 = tpu.memref_slice %arg10[%mul3A_2, %dma_start3A_15] : memref<10112x128xf32, #tpu.memory_space<vmem_shared>> -> memref<632x128xf32, #tpu.memory_space<vmem_shared>>
      tpu.enqueue_dma source(%dma_start3A_16 : memref<632x128xf32, #tpu.memory_space<vmem_shared>>) target(%dma_start3A_14 : memref<632x128xf32, #tpu.memory_space<hbm>>) target_semaphore(%run_scoped3A : memref<!tpu.dma_semaphore, #tpu.memory_space<semaphore_mem>>)
      %dma_wait3A = arith.constant 0 : i32
      %dma_wait3A_17 = tpu.memref_slice %arg6[%arg0, %mul3A_2, %dma_wait3A] : memref<2x10112x128xf32, #tpu.memory_space<hbm>> -> memref<1x632x128xf32, #tpu.memory_space<hbm>>
      %dma_wait3A_18 = tpu.memref_squeeze %dma_wait3A_17 : memref<1x632x128xf32, #tpu.memory_space<hbm>> -> memref<632x128xf32, #tpu.memory_space<hbm>>
      %dma_wait3A_19 = arith.constant 0 : i32
      %dma_wait3A_20 = tpu.memref_slice %arg10[%mul3A_2, %dma_wait3A_19] : memref<10112x128xf32, #tpu.memory_space<vmem_shared>> -> memref<632x128xf32, #tpu.memory_space<vmem_shared>>
      tpu.wait_dma2 semaphore(%run_scoped3A : memref<!tpu.dma_semaphore, #tpu.memory_space<semaphore_mem>>) src(%dma_wait3A_20 : memref<632x128xf32, #tpu.memory_space<vmem_shared>>) dst(%dma_wait3A_18 : memref<632x128xf32, #tpu.memory_space<hbm>>)
      tpu.yield
    }) : () -> ()
    return
  }
}

#map = affine_map<(d0, d1) -> (0, 0)>
#map1 = affine_map<(d0, d1) -> (0)>
#map2 = affine_map<(d0, d1) -> (0, 0, 0)>
module attributes {stable_mosaic.version = 14 : i64} {
  func.func @k(%arg0: i32, %arg1: i32, %arg2: memref<10000x128xf32, #tpu.memory_space<hbm>>, %arg3: memref<323584xi32, #tpu.memory_space<hbm>>, %arg4: memref<323584xi32, #tpu.memory_space<hbm>>, %arg5: memref<632x128xf32, #tpu.memory_space<hbm>>, %arg6: memref<2x10112x128xf32, #tpu.memory_space<hbm>>, %arg7: memref<128xi32, #tpu.memory_space<vmem>>, %arg8: memref<128xi32, #tpu.memory_space<vmem>>, %arg9: memref<128x128xf32, #tpu.memory_space<vmem>>, %arg10: memref<10112x128xf32, #tpu.memory_space<vmem_shared>>, %arg11: memref<!tpu.dma_semaphore, #tpu.memory_space<semaphore_mem>>) attributes {dimension_semantics = [#tpu.dimension_semantics<core_parallel>, #tpu.dimension_semantics<subcore_parallel>], iteration_bounds = array<i64: 2, 16>, scalar_prefetch = 0 : i64, scratch_operands = 5 : i64, tpu.core_type = #tpu.core_type<sc_vector_subcore>, window_params = [{transform_indices = #map}, {transform_indices = #map1}, {transform_indices = #map1}, {transform_indices = #map}, {transform_indices = #map2}]} {
    %mul3A = arith.constant 16 : i32
    %mul3A_0 = arith.muli %arg0, %mul3A : i32
    %add3A = arith.addi %mul3A_0, %arg1 : i32
    %mul3A_1 = arith.constant 632 : i32
    %mul3A_2 = arith.muli %arg1, %mul3A_1 : i32
    %mul3A_3 = arith.constant 79 : i32
    %mul3A_4 = arith.muli %add3A, %mul3A_3 : i32
    %mul3A_5 = arith.constant 128 : i32
    %mul3A_6 = arith.muli %mul3A_4, %mul3A_5 : i32
    "tpu.region"() ({
      %run_scoped3A = tpu.sem_alloc : memref<!tpu.dma_semaphore, #tpu.memory_space<semaphore_mem>>
      %dma_start3A = arith.constant 0 : i32
      %dma_start3A_13 = tpu.memref_slice %arg10[%mul3A_2, %dma_start3A] : memref<10112x128xf32, #tpu.memory_space<vmem_shared>> -> memref<632x128xf32, #tpu.memory_space<vmem_shared>>
      tpu.enqueue_dma source(%arg5 : memref<632x128xf32, #tpu.memory_space<hbm>>) target(%dma_start3A_13 : memref<632x128xf32, #tpu.memory_space<vmem_shared>>) target_semaphore(%run_scoped3A : memref<!tpu.dma_semaphore, #tpu.memory_space<semaphore_mem>>)
      %dma_wait3A = arith.constant 0 : i32
      %dma_wait3A_14 = tpu.memref_slice %arg10[%mul3A_2, %dma_wait3A] : memref<10112x128xf32, #tpu.memory_space<vmem_shared>> -> memref<632x128xf32, #tpu.memory_space<vmem_shared>>
      tpu.wait_dma2 semaphore(%run_scoped3A : memref<!tpu.dma_semaphore, #tpu.memory_space<semaphore_mem>>) src(%arg5 : memref<632x128xf32, #tpu.memory_space<hbm>>) dst(%dma_wait3A_14 : memref<632x128xf32, #tpu.memory_space<vmem_shared>>)
      tpu.yield
    }) : () -> ()
    %barrier3A = arith.constant 0 : index
    tpu.barrier barrier_id(%barrier3A)
    %scan3A = arith.constant 0 : i32
    %scan3A_7 = arith.constant 0 : i32
    %scan3A_8 = arith.constant 79 : i32
    %scan3A_9 = arith.addi %scan3A_7, %scan3A_8 : i32
    %scan3A_10 = arith.constant 1 : i32
    scf.for %scan3A_13 = %scan3A_7 to %scan3A_9 step %scan3A_10  : i32 {
      %mul3A_14 = arith.constant 128 : i32
      %mul3A_15 = arith.muli %scan3A_13, %mul3A_14 : i32
      %add3A_16 = arith.addi %mul3A_6, %mul3A_15 : i32
      "tpu.region"() ({
        %run_scoped3A = tpu.sem_alloc : memref<!tpu.dma_semaphore, #tpu.memory_space<semaphore_mem>>
        %dma_start3A_21 = tpu.memref_slice %arg3[%add3A_16] : memref<323584xi32, #tpu.memory_space<hbm>> -> memref<128xi32, #tpu.memory_space<hbm>>
        %dma_start3A_22 = tpu.memref_slice %arg3[%add3A_16] : memref<323584xi32, #tpu.memory_space<hbm>> -> memref<128xi32, #tpu.memory_space<hbm>>
        tpu.enqueue_dma source(%dma_start3A_22 : memref<128xi32, #tpu.memory_space<hbm>>) target(%arg7 : memref<128xi32, #tpu.memory_space<vmem>>) target_semaphore(%run_scoped3A : memref<!tpu.dma_semaphore, #tpu.memory_space<semaphore_mem>>)
        %dma_wait3A_23 = tpu.memref_slice %arg3[%add3A_16] : memref<323584xi32, #tpu.memory_space<hbm>> -> memref<128xi32, #tpu.memory_space<hbm>>
        %dma_wait3A_24 = tpu.memref_slice %arg3[%add3A_16] : memref<323584xi32, #tpu.memory_space<hbm>> -> memref<128xi32, #tpu.memory_space<hbm>>
        tpu.wait_dma2 semaphore(%run_scoped3A : memref<!tpu.dma_semaphore, #tpu.memory_space<semaphore_mem>>) src(%dma_wait3A_24 : memref<128xi32, #tpu.memory_space<hbm>>) dst(%arg7 : memref<128xi32, #tpu.memory_space<vmem>>)
        tpu.yield
      }) : () -> ()
      %dma_start3A = arith.constant 0 : i32
      %dma_start3A_17 = arith.constant 0 : i32
      %dma_start3A_18 = tpu.memref_slice %arg2[%dma_start3A, %dma_start3A_17] : memref<10000x128xf32, #tpu.memory_space<hbm>> -> memref<10000x128xf32, #tpu.memory_space<hbm>>
      tpu.enqueue_indirect_dma source(%dma_start3A_18 : memref<10000x128xf32, #tpu.memory_space<hbm>>) target(%arg9 : memref<128x128xf32, #tpu.memory_space<vmem>>) offsets(%arg7 : memref<128xi32, #tpu.memory_space<vmem>>) semaphore(%arg11 : memref<!tpu.dma_semaphore, #tpu.memory_space<semaphore_mem>>)
      %dma_wait3A = arith.constant 0 : i32
      %dma_wait3A_19 = arith.constant 0 : i32
      %dma_wait3A_20 = tpu.memref_slice %arg2[%dma_wait3A, %dma_wait3A_19] : memref<10000x128xf32, #tpu.memory_space<hbm>> -> memref<10000x128xf32, #tpu.memory_space<hbm>>
      tpu.wait_indirect_dma semaphore(%arg11 : memref<!tpu.dma_semaphore, #tpu.memory_space<semaphore_mem>>) src(%dma_wait3A_20 : memref<10000x128xf32, #tpu.memory_space<hbm>>) dst(%arg9 : memref<128x128xf32, #tpu.memory_space<vmem>>)
      "tpu.region"() ({
        %run_scoped3A = tpu.sem_alloc : memref<!tpu.dma_semaphore, #tpu.memory_space<semaphore_mem>>
        %dma_start3A_21 = tpu.memref_slice %arg4[%add3A_16] : memref<323584xi32, #tpu.memory_space<hbm>> -> memref<128xi32, #tpu.memory_space<hbm>>
        %dma_start3A_22 = tpu.memref_slice %arg4[%add3A_16] : memref<323584xi32, #tpu.memory_space<hbm>> -> memref<128xi32, #tpu.memory_space<hbm>>
        tpu.enqueue_dma source(%dma_start3A_22 : memref<128xi32, #tpu.memory_space<hbm>>) target(%arg8 : memref<128xi32, #tpu.memory_space<vmem>>) target_semaphore(%run_scoped3A : memref<!tpu.dma_semaphore, #tpu.memory_space<semaphore_mem>>)
        %dma_wait3A_23 = tpu.memref_slice %arg4[%add3A_16] : memref<323584xi32, #tpu.memory_space<hbm>> -> memref<128xi32, #tpu.memory_space<hbm>>
        %dma_wait3A_24 = tpu.memref_slice %arg4[%add3A_16] : memref<323584xi32, #tpu.memory_space<hbm>> -> memref<128xi32, #tpu.memory_space<hbm>>
        tpu.wait_dma2 semaphore(%run_scoped3A : memref<!tpu.dma_semaphore, #tpu.memory_space<semaphore_mem>>) src(%dma_wait3A_24 : memref<128xi32, #tpu.memory_space<hbm>>) dst(%arg8 : memref<128xi32, #tpu.memory_space<vmem>>)
        tpu.yield
      }) : () -> ()
      "tpu.region"() ({
        %run_scoped3A = tpu.sem_alloc : memref<!tpu.dma_semaphore, #tpu.memory_space<semaphore_mem>>
        %dma_start3A_21 = arith.constant 0 : i32
        %dma_start3A_22 = arith.constant 0 : i32
        %dma_start3A_23 = tpu.memref_slice %arg10[%dma_start3A_21, %dma_start3A_22] : memref<10112x128xf32, #tpu.memory_space<vmem_shared>> -> memref<10112x128xf32, #tpu.memory_space<vmem_shared>>
        tpu.enqueue_indirect_dma source(%arg9 : memref<128x128xf32, #tpu.memory_space<vmem>>) target(%dma_start3A_23 : memref<10112x128xf32, #tpu.memory_space<vmem_shared>>) offsets(%arg8 : memref<128xi32, #tpu.memory_space<vmem>>) semaphore(%run_scoped3A : memref<!tpu.dma_semaphore, #tpu.memory_space<semaphore_mem>>) {add = true}
        %dma_wait3A_24 = arith.constant 0 : i32
        %dma_wait3A_25 = arith.constant 0 : i32
        %dma_wait3A_26 = tpu.memref_slice %arg10[%dma_wait3A_24, %dma_wait3A_25] : memref<10112x128xf32, #tpu.memory_space<vmem_shared>> -> memref<10112x128xf32, #tpu.memory_space<vmem_shared>>
        tpu.wait_indirect_dma semaphore(%run_scoped3A : memref<!tpu.dma_semaphore, #tpu.memory_space<semaphore_mem>>) src(%arg9 : memref<128x128xf32, #tpu.memory_space<vmem>>) dst(%dma_wait3A_26 : memref<10112x128xf32, #tpu.memory_space<vmem_shared>>)
        tpu.yield
      }) : () -> ()
    }
    %scan3A_11 = arith.constant 79 : i32
    %barrier3A_12 = arith.constant 0 : index
    tpu.barrier barrier_id(%barrier3A_12)
    "tpu.region"() ({
      %run_scoped3A = tpu.sem_alloc : memref<!tpu.dma_semaphore, #tpu.memory_space<semaphore_mem>>
      %dma_start3A = arith.constant 0 : i32
      %dma_start3A_13 = tpu.memref_slice %arg6[%arg0, %mul3A_2, %dma_start3A] : memref<2x10112x128xf32, #tpu.memory_space<hbm>> -> memref<1x632x128xf32, #tpu.memory_space<hbm>>
      %dma_start3A_14 = tpu.memref_squeeze %dma_start3A_13 : memref<1x632x128xf32, #tpu.memory_space<hbm>> -> memref<632x128xf32, #tpu.memory_space<hbm>>
      %dma_start3A_15 = arith.constant 0 : i32
      %dma_start3A_16 = tpu.memref_slice %arg10[%mul3A_2, %dma_start3A_15] : memref<10112x128xf32, #tpu.memory_space<vmem_shared>> -> memref<632x128xf32, #tpu.memory_space<vmem_shared>>
      tpu.enqueue_dma source(%dma_start3A_16 : memref<632x128xf32, #tpu.memory_space<vmem_shared>>) target(%dma_start3A_14 : memref<632x128xf32, #tpu.memory_space<hbm>>) target_semaphore(%run_scoped3A : memref<!tpu.dma_semaphore, #tpu.memory_space<semaphore_mem>>)
      %dma_wait3A = arith.constant 0 : i32
      %dma_wait3A_17 = tpu.memref_slice %arg6[%arg0, %mul3A_2, %dma_wait3A] : memref<2x10112x128xf32, #tpu.memory_space<hbm>> -> memref<1x632x128xf32, #tpu.memory_space<hbm>>
      %dma_wait3A_18 = tpu.memref_squeeze %dma_wait3A_17 : memref<1x632x128xf32, #tpu.memory_space<hbm>> -> memref<632x128xf32, #tpu.memory_space<hbm>>
      %dma_wait3A_19 = arith.constant 0 : i32
      %dma_wait3A_20 = tpu.memref_slice %arg10[%mul3A_2, %dma_wait3A_19] : memref<10112x128xf32, #tpu.memory_space<vmem_shared>> -> memref<632x128xf32, #tpu.memory_space<vmem_shared>>
      tpu.wait_dma2 semaphore(%run_scoped3A : memref<!tpu.dma_semaphore, #tpu.memory_space<semaphore_mem>>) src(%dma_wait3A_20 : memref<632x128xf32, #tpu.memory_space<vmem_shared>>) dst(%dma_wait3A_18 : memref<632x128xf32, #tpu.memory_space<hbm>>)
      tpu.yield
    }) : () -> ()
    return
  }
}

#map = affine_map<(d0, d1) -> (0, 0)>
#map1 = affine_map<(d0, d1) -> (0)>
#map2 = affine_map<(d0, d1) -> (0, 0, 0)>
module attributes {stable_mosaic.version = 14 : i64} {
  func.func @k(%arg0: i32, %arg1: i32, %arg2: memref<10000x128xf32, #tpu.memory_space<hbm>>, %arg3: memref<323584xi32, #tpu.memory_space<hbm>>, %arg4: memref<323584xi32, #tpu.memory_space<hbm>>, %arg5: memref<632x128xf32, #tpu.memory_space<hbm>>, %arg6: memref<2x10112x128xf32, #tpu.memory_space<hbm>>, %arg7: memref<128xi32, #tpu.memory_space<vmem>>, %arg8: memref<128xi32, #tpu.memory_space<vmem>>, %arg9: memref<128x128xf32, #tpu.memory_space<vmem>>, %arg10: memref<10112x128xf32, #tpu.memory_space<vmem_shared>>, %arg11: memref<!tpu.dma_semaphore, #tpu.memory_space<semaphore_mem>>) attributes {dimension_semantics = [#tpu.dimension_semantics<core_parallel>, #tpu.dimension_semantics<subcore_parallel>], iteration_bounds = array<i64: 2, 16>, scalar_prefetch = 0 : i64, scratch_operands = 5 : i64, tpu.core_type = #tpu.core_type<sc_vector_subcore>, window_params = [{transform_indices = #map}, {transform_indices = #map1}, {transform_indices = #map1}, {transform_indices = #map}, {transform_indices = #map2}]} {
    %mul3A = arith.constant 16 : i32
    %mul3A_0 = arith.muli %arg0, %mul3A : i32
    %add3A = arith.addi %mul3A_0, %arg1 : i32
    %mul3A_1 = arith.constant 632 : i32
    %mul3A_2 = arith.muli %arg1, %mul3A_1 : i32
    %mul3A_3 = arith.constant 79 : i32
    %mul3A_4 = arith.muli %add3A, %mul3A_3 : i32
    %mul3A_5 = arith.constant 128 : i32
    %mul3A_6 = arith.muli %mul3A_4, %mul3A_5 : i32
    "tpu.region"() ({
      %run_scoped3A = tpu.sem_alloc : memref<!tpu.dma_semaphore, #tpu.memory_space<semaphore_mem>>
      %dma_start3A = arith.constant 0 : i32
      %dma_start3A_13 = tpu.memref_slice %arg10[%mul3A_2, %dma_start3A] : memref<10112x128xf32, #tpu.memory_space<vmem_shared>> -> memref<632x128xf32, #tpu.memory_space<vmem_shared>>
      tpu.enqueue_dma source(%arg5 : memref<632x128xf32, #tpu.memory_space<hbm>>) target(%dma_start3A_13 : memref<632x128xf32, #tpu.memory_space<vmem_shared>>) target_semaphore(%run_scoped3A : memref<!tpu.dma_semaphore, #tpu.memory_space<semaphore_mem>>)
      %dma_wait3A = arith.constant 0 : i32
      %dma_wait3A_14 = tpu.memref_slice %arg10[%mul3A_2, %dma_wait3A] : memref<10112x128xf32, #tpu.memory_space<vmem_shared>> -> memref<632x128xf32, #tpu.memory_space<vmem_shared>>
      tpu.wait_dma2 semaphore(%run_scoped3A : memref<!tpu.dma_semaphore, #tpu.memory_space<semaphore_mem>>) src(%arg5 : memref<632x128xf32, #tpu.memory_space<hbm>>) dst(%dma_wait3A_14 : memref<632x128xf32, #tpu.memory_space<vmem_shared>>)
      tpu.yield
    }) : () -> ()
    %barrier3A = arith.constant 0 : index
    tpu.barrier barrier_id(%barrier3A)
    %scan3A = arith.constant 0 : i32
    %scan3A_7 = arith.constant 0 : i32
    %scan3A_8 = arith.constant 79 : i32
    %scan3A_9 = arith.addi %scan3A_7, %scan3A_8 : i32
    %scan3A_10 = arith.constant 1 : i32
    scf.for %scan3A_13 = %scan3A_7 to %scan3A_9 step %scan3A_10  : i32 {
      %mul3A_14 = arith.constant 128 : i32
      %mul3A_15 = arith.muli %scan3A_13, %mul3A_14 : i32
      %add3A_16 = arith.addi %mul3A_6, %mul3A_15 : i32
      "tpu.region"() ({
        %run_scoped3A = tpu.sem_alloc : memref<!tpu.dma_semaphore, #tpu.memory_space<semaphore_mem>>
        %dma_start3A_21 = tpu.memref_slice %arg3[%add3A_16] : memref<323584xi32, #tpu.memory_space<hbm>> -> memref<128xi32, #tpu.memory_space<hbm>>
        %dma_start3A_22 = tpu.memref_slice %arg3[%add3A_16] : memref<323584xi32, #tpu.memory_space<hbm>> -> memref<128xi32, #tpu.memory_space<hbm>>
        tpu.enqueue_dma source(%dma_start3A_22 : memref<128xi32, #tpu.memory_space<hbm>>) target(%arg7 : memref<128xi32, #tpu.memory_space<vmem>>) target_semaphore(%run_scoped3A : memref<!tpu.dma_semaphore, #tpu.memory_space<semaphore_mem>>)
        %dma_wait3A_23 = tpu.memref_slice %arg3[%add3A_16] : memref<323584xi32, #tpu.memory_space<hbm>> -> memref<128xi32, #tpu.memory_space<hbm>>
        %dma_wait3A_24 = tpu.memref_slice %arg3[%add3A_16] : memref<323584xi32, #tpu.memory_space<hbm>> -> memref<128xi32, #tpu.memory_space<hbm>>
        tpu.wait_dma2 semaphore(%run_scoped3A : memref<!tpu.dma_semaphore, #tpu.memory_space<semaphore_mem>>) src(%dma_wait3A_24 : memref<128xi32, #tpu.memory_space<hbm>>) dst(%arg7 : memref<128xi32, #tpu.memory_space<vmem>>)
        tpu.yield
      }) : () -> ()
      %dma_start3A = arith.constant 0 : i32
      %dma_start3A_17 = arith.constant 0 : i32
      %dma_start3A_18 = tpu.memref_slice %arg2[%dma_start3A, %dma_start3A_17] : memref<10000x128xf32, #tpu.memory_space<hbm>> -> memref<10000x128xf32, #tpu.memory_space<hbm>>
      tpu.enqueue_indirect_dma source(%dma_start3A_18 : memref<10000x128xf32, #tpu.memory_space<hbm>>) target(%arg9 : memref<128x128xf32, #tpu.memory_space<vmem>>) offsets(%arg7 : memref<128xi32, #tpu.memory_space<vmem>>) semaphore(%arg11 : memref<!tpu.dma_semaphore, #tpu.memory_space<semaphore_mem>>)
      %dma_wait3A = arith.constant 0 : i32
      %dma_wait3A_19 = arith.constant 0 : i32
      %dma_wait3A_20 = tpu.memref_slice %arg2[%dma_wait3A, %dma_wait3A_19] : memref<10000x128xf32, #tpu.memory_space<hbm>> -> memref<10000x128xf32, #tpu.memory_space<hbm>>
      tpu.wait_indirect_dma semaphore(%arg11 : memref<!tpu.dma_semaphore, #tpu.memory_space<semaphore_mem>>) src(%dma_wait3A_20 : memref<10000x128xf32, #tpu.memory_space<hbm>>) dst(%arg9 : memref<128x128xf32, #tpu.memory_space<vmem>>)
      "tpu.region"() ({
        %run_scoped3A = tpu.sem_alloc : memref<!tpu.dma_semaphore, #tpu.memory_space<semaphore_mem>>
        %dma_start3A_21 = tpu.memref_slice %arg4[%add3A_16] : memref<323584xi32, #tpu.memory_space<hbm>> -> memref<128xi32, #tpu.memory_space<hbm>>
        %dma_start3A_22 = tpu.memref_slice %arg4[%add3A_16] : memref<323584xi32, #tpu.memory_space<hbm>> -> memref<128xi32, #tpu.memory_space<hbm>>
        tpu.enqueue_dma source(%dma_start3A_22 : memref<128xi32, #tpu.memory_space<hbm>>) target(%arg8 : memref<128xi32, #tpu.memory_space<vmem>>) target_semaphore(%run_scoped3A : memref<!tpu.dma_semaphore, #tpu.memory_space<semaphore_mem>>)
        %dma_wait3A_23 = tpu.memref_slice %arg4[%add3A_16] : memref<323584xi32, #tpu.memory_space<hbm>> -> memref<128xi32, #tpu.memory_space<hbm>>
        %dma_wait3A_24 = tpu.memref_slice %arg4[%add3A_16] : memref<323584xi32, #tpu.memory_space<hbm>> -> memref<128xi32, #tpu.memory_space<hbm>>
        tpu.wait_dma2 semaphore(%run_scoped3A : memref<!tpu.dma_semaphore, #tpu.memory_space<semaphore_mem>>) src(%dma_wait3A_24 : memref<128xi32, #tpu.memory_space<hbm>>) dst(%arg8 : memref<128xi32, #tpu.memory_space<vmem>>)
        tpu.yield
      }) : () -> ()
      "tpu.region"() ({
        %run_scoped3A = tpu.sem_alloc : memref<!tpu.dma_semaphore, #tpu.memory_space<semaphore_mem>>
        %dma_start3A_21 = arith.constant 0 : i32
        %dma_start3A_22 = arith.constant 0 : i32
        %dma_start3A_23 = tpu.memref_slice %arg10[%dma_start3A_21, %dma_start3A_22] : memref<10112x128xf32, #tpu.memory_space<vmem_shared>> -> memref<10112x128xf32, #tpu.memory_space<vmem_shared>>
        tpu.enqueue_indirect_dma source(%arg9 : memref<128x128xf32, #tpu.memory_space<vmem>>) target(%dma_start3A_23 : memref<10112x128xf32, #tpu.memory_space<vmem_shared>>) offsets(%arg8 : memref<128xi32, #tpu.memory_space<vmem>>) semaphore(%run_scoped3A : memref<!tpu.dma_semaphore, #tpu.memory_space<semaphore_mem>>) {add = true}
        %dma_wait3A_24 = arith.constant 0 : i32
        %dma_wait3A_25 = arith.constant 0 : i32
        %dma_wait3A_26 = tpu.memref_slice %arg10[%dma_wait3A_24, %dma_wait3A_25] : memref<10112x128xf32, #tpu.memory_space<vmem_shared>> -> memref<10112x128xf32, #tpu.memory_space<vmem_shared>>
        tpu.wait_indirect_dma semaphore(%run_scoped3A : memref<!tpu.dma_semaphore, #tpu.memory_space<semaphore_mem>>) src(%arg9 : memref<128x128xf32, #tpu.memory_space<vmem>>) dst(%dma_wait3A_26 : memref<10112x128xf32, #tpu.memory_space<vmem_shared>>)
        tpu.yield
      }) : () -> ()
    }
    %scan3A_11 = arith.constant 79 : i32
    %barrier3A_12 = arith.constant 0 : index
    tpu.barrier barrier_id(%barrier3A_12)
    "tpu.region"() ({
      %run_scoped3A = tpu.sem_alloc : memref<!tpu.dma_semaphore, #tpu.memory_space<semaphore_mem>>
      %dma_start3A = arith.constant 0 : i32
      %dma_start3A_13 = tpu.memref_slice %arg6[%arg0, %mul3A_2, %dma_start3A] : memref<2x10112x128xf32, #tpu.memory_space<hbm>> -> memref<1x632x128xf32, #tpu.memory_space<hbm>>
      %dma_start3A_14 = tpu.memref_squeeze %dma_start3A_13 : memref<1x632x128xf32, #tpu.memory_space<hbm>> -> memref<632x128xf32, #tpu.memory_space<hbm>>
      %dma_start3A_15 = arith.constant 0 : i32
      %dma_start3A_16 = tpu.memref_slice %arg10[%mul3A_2, %dma_start3A_15] : memref<10112x128xf32, #tpu.memory_space<vmem_shared>> -> memref<632x128xf32, #tpu.memory_space<vmem_shared>>
      tpu.enqueue_dma source(%dma_start3A_16 : memref<632x128xf32, #tpu.memory_space<vmem_shared>>) target(%dma_start3A_14 : memref<632x128xf32, #tpu.memory_space<hbm>>) target_semaphore(%run_scoped3A : memref<!tpu.dma_semaphore, #tpu.memory_space<semaphore_mem>>)
      %dma_wait3A = arith.constant 0 : i32
      %dma_wait3A_17 = tpu.memref_slice %arg6[%arg0, %mul3A_2, %dma_wait3A] : memref<2x10112x128xf32, #tpu.memory_space<hbm>> -> memref<1x632x128xf32, #tpu.memory_space<hbm>>
      %dma_wait3A_18 = tpu.memref_squeeze %dma_wait3A_17 : memref<1x632x128xf32, #tpu.memory_space<hbm>> -> memref<632x128xf32, #tpu.memory_space<hbm>>
      %dma_wait3A_19 = arith.constant 0 : i32
      %dma_wait3A_20 = tpu.memref_slice %arg10[%mul3A_2, %dma_wait3A_19] : memref<10112x128xf32, #tpu.memory_space<vmem_shared>> -> memref<632x128xf32, #tpu.memory_space<vmem_shared>>
      tpu.wait_dma2 semaphore(%run_scoped3A : memref<!tpu.dma_semaphore, #tpu.memory_space<semaphore_mem>>) src(%dma_wait3A_20 : memref<632x128xf32, #tpu.memory_space<vmem_shared>>) dst(%dma_wait3A_18 : memref<632x128xf32, #tpu.memory_space<hbm>>)
      tpu.yield
    }) : () -> ()
    return
  }
}

module attributes {stable_mosaic.version = 14 : i64} {
  func.func @_tc_in_body(%arg0: i32, %arg1: memref<1000x128xf32, #tpu.memory_space<vmem>>, %arg2: memref<128x128xf32, #tpu.memory_space<vmem>>, %arg3: memref<1x128xf32, #tpu.memory_space<vmem>>, %arg4: memref<128x128xf32, #tpu.memory_space<vmem>>, %arg5: memref<1x128xf32, #tpu.memory_space<vmem>>, %arg6: memref<1000x128xf32, #tpu.memory_space<vmem>>, %arg7: memref<1000x128xf32, #tpu.memory_space<vmem>>) attributes {dimension_semantics = [#tpu.dimension_semantics<arbitrary>], iteration_bounds = array<i64: 10>, scalar_prefetch = 0 : i64, scratch_operands = 0 : i64, tpu.core_type = #tpu.core_type<tc>, window_params = [{transform_indices = @transform_0, window_bounds = array<i64: 1000, 128>}, {pipeline_mode = #tpu.pipeline_mode<synchronous>, transform_indices = @transform_1, window_bounds = array<i64: 128, 128>}, {pipeline_mode = #tpu.pipeline_mode<synchronous>, transform_indices = @transform_2, window_bounds = array<i64: 1, 128>}, {pipeline_mode = #tpu.pipeline_mode<synchronous>, transform_indices = @transform_3, window_bounds = array<i64: 128, 128>}, {pipeline_mode = #tpu.pipeline_mode<synchronous>, transform_indices = @transform_4, window_bounds = array<i64: 1, 128>}, {transform_indices = @transform_5, window_bounds = array<i64: 1000, 128>}, {transform_indices = @transform_6, window_bounds = array<i64: 1000, 128>}]} {
    %get3A = arith.constant 0 : index
    %get3A_0 = arith.constant 0 : index
    %get3A_1 = vector.load %arg1[%get3A, %get3A_0] : memref<1000x128xf32, #tpu.memory_space<vmem>>, vector<1000x128xf32>
    %get3A_2 = arith.constant 0 : index
    %get3A_3 = arith.constant 0 : index
    %get3A_4 = vector.load %arg2[%get3A_2, %get3A_3] : memref<128x128xf32, #tpu.memory_space<vmem>>, vector<128x128xf32>
    %get3A_5 = arith.constant 0 : index
    %get3A_6 = arith.constant 0 : index
    %get3A_7 = vector.load %arg3[%get3A_5, %get3A_6] : memref<1x128xf32, #tpu.memory_space<vmem>>, vector<1x128xf32>
    %dot_general3A = arith.constant dense<0.000000e+00> : vector<1000x128xf32>
    %dot_general3A_8 = tpu.matmul %get3A_1, %get3A_4, %dot_general3A {dimension_numbers = #tpu.dot_dimension_numbers<[1], [0], [0], [1], [0, 0, 1, 1], [], []>, transpose_lhs_hint = false} : vector<1000x128xf32>, vector<128x128xf32>, vector<1000x128xf32> -> vector<1000x128xf32>
    %add3A = vector.broadcast %get3A_7 : vector<1x128xf32> to vector<1000x128xf32>
    %add3A_9 = arith.addf %dot_general3A_8, %add3A : vector<1000x128xf32>
    %max3A = arith.constant 0.000000e+00 : f32
    %max3A_10 = vector.broadcast %max3A : f32 to vector<1000x128xf32>
    %max3A_11 = arith.maximumf %add3A_9, %max3A_10 : vector<1000x128xf32>
    %swap3A = arith.constant 0 : index
    %swap3A_12 = arith.constant 0 : index
    %swap3A_13 = vector.load %arg6[%swap3A, %swap3A_12] : memref<1000x128xf32, #tpu.memory_space<vmem>>, vector<1000x128xf32>
    tpu.vector_store %arg6[%swap3A, %swap3A_12], %max3A_11 {strides = array<i32>} : memref<1000x128xf32, #tpu.memory_space<vmem>>, vector<1000x128xf32>,
    %get3A_14 = arith.constant 0 : index
    %get3A_15 = arith.constant 0 : index
    %get3A_16 = vector.load %arg4[%get3A_14, %get3A_15] : memref<128x128xf32, #tpu.memory_space<vmem>>, vector<128x128xf32>
    %get3A_17 = arith.constant 0 : index
    %get3A_18 = arith.constant 0 : index
    %get3A_19 = vector.load %arg5[%get3A_17, %get3A_18] : memref<1x128xf32, #tpu.memory_space<vmem>>, vector<1x128xf32>
    %dot_general3A_20 = arith.constant dense<0.000000e+00> : vector<1000x128xf32>
    %dot_general3A_21 = tpu.matmul %max3A_11, %get3A_16, %dot_general3A_20 {dimension_numbers = #tpu.dot_dimension_numbers<[1], [0], [0], [1], [0, 0, 1, 1], [], []>, transpose_lhs_hint = false} : vector<1000x128xf32>, vector<128x128xf32>, vector<1000x128xf32> -> vector<1000x128xf32>
    %add3A_22 = vector.broadcast %get3A_19 : vector<1x128xf32> to vector<1000x128xf32>
    %add3A_23 = arith.addf %dot_general3A_21, %add3A_22 : vector<1000x128xf32>
    %max3A_24 = arith.constant 0.000000e+00 : f32
    %max3A_25 = vector.broadcast %max3A_24 : f32 to vector<1000x128xf32>
    %max3A_26 = arith.maximumf %add3A_23, %max3A_25 : vector<1000x128xf32>
    %swap3A_27 = arith.constant 0 : index
    %swap3A_28 = arith.constant 0 : index
    %swap3A_29 = vector.load %arg7[%swap3A_27, %swap3A_28] : memref<1000x128xf32, #tpu.memory_space<vmem>>, vector<1000x128xf32>
    tpu.vector_store %arg7[%swap3A_27, %swap3A_28], %max3A_26 {strides = array<i32>} : memref<1000x128xf32, #tpu.memory_space<vmem>>, vector<1000x128xf32>,
    return
  }
  func.func @transform_0(%arg0: i32) -> (i32, i32) {
    %c0_i32 = arith.constant 0 : i32
    %c0_i32_0 = arith.constant 0 : i32
    return %arg0, %c0_i32 : i32, i32
  }
  func.func @transform_1(%arg0: i32) -> (i32, i32) {
    %c0_i32 = arith.constant 0 : i32
    %c0_i32_0 = arith.constant 0 : i32
    %c0_i32_1 = arith.constant 0 : i32
    return %c0_i32, %c0_i32_0 : i32, i32
  }
  func.func @transform_2(%arg0: i32) -> (i32, i32) {
    %c0_i32 = arith.constant 0 : i32
    %c0_i32_0 = arith.constant 0 : i32
    %c0_i32_1 = arith.constant 0 : i32
    return %c0_i32, %c0_i32_0 : i32, i32
  }
  func.func @transform_3(%arg0: i32) -> (i32, i32) {
    %c0_i32 = arith.constant 0 : i32
    %c0_i32_0 = arith.constant 0 : i32
    %c0_i32_1 = arith.constant 0 : i32
    return %c0_i32, %c0_i32_0 : i32, i32
  }
  func.func @transform_4(%arg0: i32) -> (i32, i32) {
    %c0_i32 = arith.constant 0 : i32
    %c0_i32_0 = arith.constant 0 : i32
    %c0_i32_1 = arith.constant 0 : i32
    return %c0_i32, %c0_i32_0 : i32, i32
  }
  func.func @transform_5(%arg0: i32) -> (i32, i32) {
    %c0_i32 = arith.constant 0 : i32
    %c0_i32_0 = arith.constant 0 : i32
    return %arg0, %c0_i32 : i32, i32
  }
  func.func @transform_6(%arg0: i32) -> (i32, i32) {
    %c0_i32 = arith.constant 0 : i32
    %c0_i32_0 = arith.constant 0 : i32
    return %arg0, %c0_i32 : i32, i32
  }
}

module attributes {stable_mosaic.version = 14 : i64} {
  func.func @_tc_upd_body(%arg0: i32, %arg1: memref<1000x128xf32, #tpu.memory_space<vmem>>, %arg2: memref<2x1000x128xf32, #tpu.memory_space<vmem>>, %arg3: memref<128x128xf32, #tpu.memory_space<vmem>>, %arg4: memref<1x128xf32, #tpu.memory_space<vmem>>, %arg5: memref<128x128xf32, #tpu.memory_space<vmem>>, %arg6: memref<1x128xf32, #tpu.memory_space<vmem>>, %arg7: memref<1000x128xf32, #tpu.memory_space<vmem>>, %arg8: memref<1000x128xf32, #tpu.memory_space<vmem>>) attributes {dimension_semantics = [#tpu.dimension_semantics<arbitrary>], iteration_bounds = array<i64: 10>, scalar_prefetch = 0 : i64, scratch_operands = 0 : i64, tpu.core_type = #tpu.core_type<tc>, window_params = [{transform_indices = @transform_0, window_bounds = array<i64: 1000, 128>}, {transform_indices = @transform_1, window_bounds = array<i64: 2, 1000, 128>}, {pipeline_mode = #tpu.pipeline_mode<synchronous>, transform_indices = @transform_2, window_bounds = array<i64: 128, 128>}, {pipeline_mode = #tpu.pipeline_mode<synchronous>, transform_indices = @transform_3, window_bounds = array<i64: 1, 128>}, {pipeline_mode = #tpu.pipeline_mode<synchronous>, transform_indices = @transform_4, window_bounds = array<i64: 128, 128>}, {pipeline_mode = #tpu.pipeline_mode<synchronous>, transform_indices = @transform_5, window_bounds = array<i64: 1, 128>}, {transform_indices = @transform_6, window_bounds = array<i64: 1000, 128>}, {transform_indices = @transform_7, window_bounds = array<i64: 1000, 128>}]} {
    %get3A = arith.constant 0 : index
    %get3A_0 = arith.constant 0 : index
    %get3A_1 = arith.constant 0 : index
    %get3A_2 = vector.load %arg2[%get3A, %get3A_0, %get3A_1] : memref<2x1000x128xf32, #tpu.memory_space<vmem>>, vector<1x1000x128xf32>
    %get3A_3 = vector.shape_cast %get3A_2 : vector<1x1000x128xf32> to vector<1000x128xf32>
    %get3A_4 = arith.constant 1 : index
    %get3A_5 = arith.constant 0 : index
    %get3A_6 = arith.constant 0 : index
    %get3A_7 = vector.load %arg2[%get3A_4, %get3A_5, %get3A_6] : memref<2x1000x128xf32, #tpu.memory_space<vmem>>, vector<1x1000x128xf32>
    %get3A_8 = vector.shape_cast %get3A_7 : vector<1x1000x128xf32> to vector<1000x128xf32>
    %add3A = arith.addf %get3A_3, %get3A_8 : vector<1000x128xf32>
    %get3A_9 = arith.constant 0 : index
    %get3A_10 = arith.constant 0 : index
    %get3A_11 = vector.load %arg1[%get3A_9, %get3A_10] : memref<1000x128xf32, #tpu.memory_space<vmem>>, vector<1000x128xf32>
    %get3A_12 = arith.constant 0 : index
    %get3A_13 = arith.constant 0 : index
    %get3A_14 = vector.load %arg3[%get3A_12, %get3A_13] : memref<128x128xf32, #tpu.memory_space<vmem>>, vector<128x128xf32>
    %get3A_15 = arith.constant 0 : index
    %get3A_16 = arith.constant 0 : index
    %get3A_17 = vector.load %arg4[%get3A_15, %get3A_16] : memref<1x128xf32, #tpu.memory_space<vmem>>, vector<1x128xf32>
    %dot_general3A = arith.constant dense<0.000000e+00> : vector<1000x128xf32>
    %dot_general3A_18 = tpu.matmul %add3A, %get3A_14, %dot_general3A {dimension_numbers = #tpu.dot_dimension_numbers<[1], [0], [0], [1], [0, 0, 1, 1], [], []>, transpose_lhs_hint = false} : vector<1000x128xf32>, vector<128x128xf32>, vector<1000x128xf32> -> vector<1000x128xf32>
    %add3A_19 = vector.broadcast %get3A_17 : vector<1x128xf32> to vector<1000x128xf32>
    %add3A_20 = arith.addf %dot_general3A_18, %add3A_19 : vector<1000x128xf32>
    %max3A = arith.constant 0.000000e+00 : f32
    %max3A_21 = vector.broadcast %max3A : f32 to vector<1000x128xf32>
    %max3A_22 = arith.maximumf %add3A_20, %max3A_21 : vector<1000x128xf32>
    %add3A_23 = arith.addf %get3A_11, %max3A_22 : vector<1000x128xf32>
    %swap3A = arith.constant 0 : index
    %swap3A_24 = arith.constant 0 : index
    %swap3A_25 = vector.load %arg7[%swap3A, %swap3A_24] : memref<1000x128xf32, #tpu.memory_space<vmem>>, vector<1000x128xf32>
    tpu.vector_store %arg7[%swap3A, %swap3A_24], %add3A_23 {strides = array<i32>} : memref<1000x128xf32, #tpu.memory_space<vmem>>, vector<1000x128xf32>,
    %get3A_26 = arith.constant 0 : index
    %get3A_27 = arith.constant 0 : index
    %get3A_28 = vector.load %arg5[%get3A_26, %get3A_27] : memref<128x128xf32, #tpu.memory_space<vmem>>, vector<128x128xf32>
    %get3A_29 = arith.constant 0 : index
    %get3A_30 = arith.constant 0 : index
    %get3A_31 = vector.load %arg6[%get3A_29, %get3A_30] : memref<1x128xf32, #tpu.memory_space<vmem>>, vector<1x128xf32>
    %dot_general3A_32 = arith.constant dense<0.000000e+00> : vector<1000x128xf32>
    %dot_general3A_33 = tpu.matmul %add3A_23, %get3A_28, %dot_general3A_32 {dimension_numbers = #tpu.dot_dimension_numbers<[1], [0], [0], [1], [0, 0, 1, 1], [], []>, transpose_lhs_hint = false} : vector<1000x128xf32>, vector<128x128xf32>, vector<1000x128xf32> -> vector<1000x128xf32>
    %add3A_34 = vector.broadcast %get3A_31 : vector<1x128xf32> to vector<1000x128xf32>
    %add3A_35 = arith.addf %dot_general3A_33, %add3A_34 : vector<1000x128xf32>
    %max3A_36 = arith.constant 0.000000e+00 : f32
    %max3A_37 = vector.broadcast %max3A_36 : f32 to vector<1000x128xf32>
    %max3A_38 = arith.maximumf %add3A_35, %max3A_37 : vector<1000x128xf32>
    %swap3A_39 = arith.constant 0 : index
    %swap3A_40 = arith.constant 0 : index
    %swap3A_41 = vector.load %arg8[%swap3A_39, %swap3A_40] : memref<1000x128xf32, #tpu.memory_space<vmem>>, vector<1000x128xf32>
    tpu.vector_store %arg8[%swap3A_39, %swap3A_40], %max3A_38 {strides = array<i32>} : memref<1000x128xf32, #tpu.memory_space<vmem>>, vector<1000x128xf32>,
    return
  }
  func.func @transform_0(%arg0: i32) -> (i32, i32) {
    %c0_i32 = arith.constant 0 : i32
    %c0_i32_0 = arith.constant 0 : i32
    return %arg0, %c0_i32 : i32, i32
  }
  func.func @transform_1(%arg0: i32) -> (i32, i32, i32) {
    %c0_i32 = arith.constant 0 : i32
    %c0_i32_0 = arith.constant 0 : i32
    %c0_i32_1 = arith.constant 0 : i32
    return %c0_i32, %arg0, %c0_i32_0 : i32, i32, i32
  }
  func.func @transform_2(%arg0: i32) -> (i32, i32) {
    %c0_i32 = arith.constant 0 : i32
    %c0_i32_0 = arith.constant 0 : i32
    %c0_i32_1 = arith.constant 0 : i32
    return %c0_i32, %c0_i32_0 : i32, i32
  }
  func.func @transform_3(%arg0: i32) -> (i32, i32) {
    %c0_i32 = arith.constant 0 : i32
    %c0_i32_0 = arith.constant 0 : i32
    %c0_i32_1 = arith.constant 0 : i32
    return %c0_i32, %c0_i32_0 : i32, i32
  }
  func.func @transform_4(%arg0: i32) -> (i32, i32) {
    %c0_i32 = arith.constant 0 : i32
    %c0_i32_0 = arith.constant 0 : i32
    %c0_i32_1 = arith.constant 0 : i32
    return %c0_i32, %c0_i32_0 : i32, i32
  }
  func.func @transform_5(%arg0: i32) -> (i32, i32) {
    %c0_i32 = arith.constant 0 : i32
    %c0_i32_0 = arith.constant 0 : i32
    %c0_i32_1 = arith.constant 0 : i32
    return %c0_i32, %c0_i32_0 : i32, i32
  }
  func.func @transform_6(%arg0: i32) -> (i32, i32) {
    %c0_i32 = arith.constant 0 : i32
    %c0_i32_0 = arith.constant 0 : i32
    return %arg0, %c0_i32 : i32, i32
  }
  func.func @transform_7(%arg0: i32) -> (i32, i32) {
    %c0_i32 = arith.constant 0 : i32
    %c0_i32_0 = arith.constant 0 : i32
    return %arg0, %c0_i32 : i32, i32
  }
}

module attributes {stable_mosaic.version = 14 : i64} {
  func.func @_tc_fin_body(%arg0: i32, %arg1: memref<1000x128xf32, #tpu.memory_space<vmem>>, %arg2: memref<2x1000x128xf32, #tpu.memory_space<vmem>>, %arg3: memref<128x128xf32, #tpu.memory_space<vmem>>, %arg4: memref<1x128xf32, #tpu.memory_space<vmem>>, %arg5: memref<128x128xf32, #tpu.memory_space<vmem>>, %arg6: memref<1x128xf32, #tpu.memory_space<vmem>>, %arg7: memref<1000x128xf32, #tpu.memory_space<vmem>>) attributes {dimension_semantics = [#tpu.dimension_semantics<arbitrary>], iteration_bounds = array<i64: 10>, scalar_prefetch = 0 : i64, scratch_operands = 0 : i64, tpu.core_type = #tpu.core_type<tc>, window_params = [{transform_indices = @transform_0, window_bounds = array<i64: 1000, 128>}, {transform_indices = @transform_1, window_bounds = array<i64: 2, 1000, 128>}, {pipeline_mode = #tpu.pipeline_mode<synchronous>, transform_indices = @transform_2, window_bounds = array<i64: 128, 128>}, {pipeline_mode = #tpu.pipeline_mode<synchronous>, transform_indices = @transform_3, window_bounds = array<i64: 1, 128>}, {pipeline_mode = #tpu.pipeline_mode<synchronous>, transform_indices = @transform_4, window_bounds = array<i64: 128, 128>}, {pipeline_mode = #tpu.pipeline_mode<synchronous>, transform_indices = @transform_5, window_bounds = array<i64: 1, 128>}, {transform_indices = @transform_6, window_bounds = array<i64: 1000, 128>}]} {
    %get3A = arith.constant 0 : index
    %get3A_0 = arith.constant 0 : index
    %get3A_1 = arith.constant 0 : index
    %get3A_2 = vector.load %arg2[%get3A, %get3A_0, %get3A_1] : memref<2x1000x128xf32, #tpu.memory_space<vmem>>, vector<1x1000x128xf32>
    %get3A_3 = vector.shape_cast %get3A_2 : vector<1x1000x128xf32> to vector<1000x128xf32>
    %get3A_4 = arith.constant 1 : index
    %get3A_5 = arith.constant 0 : index
    %get3A_6 = arith.constant 0 : index
    %get3A_7 = vector.load %arg2[%get3A_4, %get3A_5, %get3A_6] : memref<2x1000x128xf32, #tpu.memory_space<vmem>>, vector<1x1000x128xf32>
    %get3A_8 = vector.shape_cast %get3A_7 : vector<1x1000x128xf32> to vector<1000x128xf32>
    %add3A = arith.addf %get3A_3, %get3A_8 : vector<1000x128xf32>
    %get3A_9 = arith.constant 0 : index
    %get3A_10 = arith.constant 0 : index
    %get3A_11 = vector.load %arg1[%get3A_9, %get3A_10] : memref<1000x128xf32, #tpu.memory_space<vmem>>, vector<1000x128xf32>
    %get3A_12 = arith.constant 0 : index
    %get3A_13 = arith.constant 0 : index
    %get3A_14 = vector.load %arg3[%get3A_12, %get3A_13] : memref<128x128xf32, #tpu.memory_space<vmem>>, vector<128x128xf32>
    %get3A_15 = arith.constant 0 : index
    %get3A_16 = arith.constant 0 : index
    %get3A_17 = vector.load %arg4[%get3A_15, %get3A_16] : memref<1x128xf32, #tpu.memory_space<vmem>>, vector<1x128xf32>
    %dot_general3A = arith.constant dense<0.000000e+00> : vector<1000x128xf32>
    %dot_general3A_18 = tpu.matmul %add3A, %get3A_14, %dot_general3A {dimension_numbers = #tpu.dot_dimension_numbers<[1], [0], [0], [1], [0, 0, 1, 1], [], []>, transpose_lhs_hint = false} : vector<1000x128xf32>, vector<128x128xf32>, vector<1000x128xf32> -> vector<1000x128xf32>
    %add3A_19 = vector.broadcast %get3A_17 : vector<1x128xf32> to vector<1000x128xf32>
    %add3A_20 = arith.addf %dot_general3A_18, %add3A_19 : vector<1000x128xf32>
    %max3A = arith.constant 0.000000e+00 : f32
    %max3A_21 = vector.broadcast %max3A : f32 to vector<1000x128xf32>
    %max3A_22 = arith.maximumf %add3A_20, %max3A_21 : vector<1000x128xf32>
    %add3A_23 = arith.addf %get3A_11, %max3A_22 : vector<1000x128xf32>
    %get3A_24 = arith.constant 0 : index
    %get3A_25 = arith.constant 0 : index
    %get3A_26 = vector.load %arg5[%get3A_24, %get3A_25] : memref<128x128xf32, #tpu.memory_space<vmem>>, vector<128x128xf32>
    %get3A_27 = arith.constant 0 : index
    %get3A_28 = arith.constant 0 : index
    %get3A_29 = vector.load %arg6[%get3A_27, %get3A_28] : memref<1x128xf32, #tpu.memory_space<vmem>>, vector<1x128xf32>
    %dot_general3A_30 = arith.constant dense<0.000000e+00> : vector<1000x128xf32>
    %dot_general3A_31 = tpu.matmul %add3A_23, %get3A_26, %dot_general3A_30 {dimension_numbers = #tpu.dot_dimension_numbers<[1], [0], [0], [1], [0, 0, 1, 1], [], []>, transpose_lhs_hint = false} : vector<1000x128xf32>, vector<128x128xf32>, vector<1000x128xf32> -> vector<1000x128xf32>
    %add3A_32 = vector.broadcast %get3A_29 : vector<1x128xf32> to vector<1000x128xf32>
    %add3A_33 = arith.addf %dot_general3A_31, %add3A_32 : vector<1000x128xf32>
    %swap3A = arith.constant 0 : index
    %swap3A_34 = arith.constant 0 : index
    %swap3A_35 = vector.load %arg7[%swap3A, %swap3A_34] : memref<1000x128xf32, #tpu.memory_space<vmem>>, vector<1000x128xf32>
    tpu.vector_store %arg7[%swap3A, %swap3A_34], %add3A_33 {strides = array<i32>} : memref<1000x128xf32, #tpu.memory_space<vmem>>, vector<1000x128xf32>,
    return
  }
  func.func @transform_0(%arg0: i32) -> (i32, i32) {
    %c0_i32 = arith.constant 0 : i32
    %c0_i32_0 = arith.constant 0 : i32
    return %arg0, %c0_i32 : i32, i32
  }
  func.func @transform_1(%arg0: i32) -> (i32, i32, i32) {
    %c0_i32 = arith.constant 0 : i32
    %c0_i32_0 = arith.constant 0 : i32
    %c0_i32_1 = arith.constant 0 : i32
    return %c0_i32, %arg0, %c0_i32_0 : i32, i32, i32
  }
  func.func @transform_2(%arg0: i32) -> (i32, i32) {
    %c0_i32 = arith.constant 0 : i32
    %c0_i32_0 = arith.constant 0 : i32
    %c0_i32_1 = arith.constant 0 : i32
    return %c0_i32, %c0_i32_0 : i32, i32
  }
  func.func @transform_3(%arg0: i32) -> (i32, i32) {
    %c0_i32 = arith.constant 0 : i32
    %c0_i32_0 = arith.constant 0 : i32
    %c0_i32_1 = arith.constant 0 : i32
    return %c0_i32, %c0_i32_0 : i32, i32
  }
  func.func @transform_4(%arg0: i32) -> (i32, i32) {
    %c0_i32 = arith.constant 0 : i32
    %c0_i32_0 = arith.constant 0 : i32
    %c0_i32_1 = arith.constant 0 : i32
    return %c0_i32, %c0_i32_0 : i32, i32
  }
  func.func @transform_5(%arg0: i32) -> (i32, i32) {
    %c0_i32 = arith.constant 0 : i32
    %c0_i32_0 = arith.constant 0 : i32
    %c0_i32_1 = arith.constant 0 : i32
    return %c0_i32, %c0_i32_0 : i32, i32
  }
  func.func @transform_6(%arg0: i32) -> (i32, i32) {
    %c0_i32 = arith.constant 0 : i32
    %c0_i32_0 = arith.constant 0 : i32
    return %arg0, %c0_i32 : i32, i32
  }
}

</mosaic_0001>

<sc_bundles>
// kernel: kernel.12.cloned.1.call-start
scs
__scs_entry_jumppad:
0x0: {  	(pc) =	sbr.rel $0x88, $3  }
0x1: {  	(tag) =	ssettag $0x0;
	lr =	simm.s32 $0x1  }
0x2: {  	[smem:$0x3F97] =	sst lr;
	_ =	strace $0xD0000000  }
0x3: {  	_ = 	snop  }
0x4: {  	_ = 	snop  }
0x5: {  	_ = 	snop  }
0x6: {  	_ = 	snop  }
0x7: {  	_ = 	snop  }
__scs_overlays_trampoline_lowered:
0x8: {  	[smem:$0x3FA6] =	sst s0  }
0x9: {  	[smem:$0x3FA7] =	sst s1  }
0xa: {  	[smem:$0x3FA8] =	sst s2  }
0xb: {  	[smem:$0x3FA9] =	sst s3  }
0xc: {  	[smem:$0x3FAA] =	sst s4  }
0xd: {  	[smem:$0x3FAB] =	sst s5  }
0xe: {  	[smem:$0x3FAC] =	sst s6  }
0xf: {  	[smem:$0x3FAD] =	sst s7  }
0x10: {  	[smem:$0x3FAE] =	sst s8  }
0x11: {  	[smem:$0x3FAF] =	sst s9;
	s0 =	simm.s32 @!p0 $0x0  }
0x12: {  	s1 =	sld [smem:$0x3F95];
	s0 =	simm.s32 @p0 $0x1  }
0x13: {  	[smem:$0x3FB0] =	sst s0;
	s0 =	simm.s32 @!p1 $0x0  }
0x14: {  	s2 =	sld [smem:$0x3F94];
	s0 =	simm.s32 @p1 $0x1  }
0x15: {  	[smem:$0x3FB1] =	sst s0;
	s0 =	simm.s32 @!p2 $0x0  }
0x16: {  	s3 =	sld [smem:$0x3FDB];
	s0 =	simm.s32 @p2 $0x1  }
0x17: {  	s4 =	simm.s32 $0x1BF5;
	[smem:$0x3FB3] =	sst s0  }
0x18: {  	s0 =	sld [smem:$0x3F96];
	_ =	swait.ge [sflag:s4], $0x0  }
0x19: {  	s7 =	sld [smem:$0x3F97]  }
0x1a: {  	s8 =	sadd.s32 $0xFFFFE003, lr  }
0x1b: {  	s9 =	sadd.s32 $0xFFFFFEF7, lr;
	s5 =	simm.s32 $0xFFFFFFFF;
	p2 =	slt.u32 s8, $0xFFFFF086  }
0x1c: {  	p1 =	slt.u32 s9, $0xF7A;
	s5 =	simm.s32 @!p2 $0x0  }
0x1d: {  	s5 =	simm.s32 @p1 $0x1;
	p0 =	seq.s32 s7, s2  }
0x1e: {  	s7 =	smul.u32 @!p0 $0xF7A, s2;
	p2 =	seq.s32 @!p0 s5, $0x0  }
0x1f: {  	s9 =	smul.u32 $0xF7A, s1;
	s8 =	simm.s32 @!p0 $0x1BF5;
	p2 =	por !p2, p0  }
0x20: {  	[sflag:s8] =	ssyncset.s32 @!p0 $0xFFFFF086;
	s6 =	sadd.s32 @!p0 s3, s7;
	s7 =	simm.s32 @!p0 $0x108  }
0x21: {  	s3 =	sadd.s32 s3, s9;
	s6 =	sadd.s32 @!p0 $0x88, s6;
	s7 =	simm.s32 @p2 $0x1082  }
0x22: {  	[simem:s7], [sflag:s8] =	dma.local @!p0 [hbm:s6], $0xF7A  }
0x23: {  	s9 =	sor.u32 $0xD0000000, s2;
	s6 =	simm.s32 $0x108;
	_ =	swait.ge @!p0 [sflag:s8], $0x0  }
0x24: {  	s3 =	sadd.s32 $0x88, s3;
	s6 =	simm.s32 @!p1 $0x1082;
	[sflag:s4] =	ssyncset.s32 $0xFFFFF086  }
0x25: {  	[simem:s6], [sflag:s4] =	dma.local [hbm:s3], $0xF7A  }
0x26: {  	[smem:$0x3F97] =	sst s1;
	(tag) =	ssettag s2;
	_ =	strace s9  }
0x27: {  	s1 =	sld [smem:$0x3FA7]  }
0x28: {  	s2 =	sld [smem:$0x3FA8]  }
0x29: {  	s4 =	sld [smem:$0x3FAA]  }
0x2a: {  	p0 =	seq.s32 s5, $0x0;
	s5 =	sld [smem:$0x3FAB]  }
0x2b: {  	s6 =	sld [smem:$0x3FAC]  }
0x2c: {  	s7 =	sld [smem:$0x3FAD]  }
0x2d: {  	s3 =	simm.s32 $0x108;
	s8 =	sld [smem:$0x3FAE]  }
0x2e: {  	s3 =	simm.s32 @!p0 $0x1082;
	s9 =	sld [smem:$0x3FAF]  }
0x2f: {  	lr =	sadd.s32 s0, s3;
	s0 =	sld [smem:$0x3FA6]  }
0x30: {  	s3 =	sld [smem:$0x3FA9]  }
0x31: {  	[smem:$0x3FB2] =	sst s10  }
0x32: {  	s10 =	sld [smem:$0x3FB0];
	_ =	sdelay $0x3  }
0x33: {  	p0 =	seq.s32 s10, $0x1;
	s10 =	sld [smem:$0x3FB2];
	_ =	sdelay $0x3  }
0x34: {  	[smem:$0x3FB2] =	sst s10  }
0x35: {  	s10 =	sld [smem:$0x3FB1];
	_ =	sdelay $0x3  }
0x36: {  	p1 =	seq.s32 s10, $0x1;
	s10 =	sld [smem:$0x3FB2];
	_ =	sdelay $0x3  }
0x37: {  	[smem:$0x3FB2] =	sst s10  }
0x38: {  	s10 =	sld [smem:$0x3FB3]  }
0x39: {  	_ = 	snop;
	(pc) =	sbr.ind lr, $3  }
0x3a: {  	_ = 	snop  }
0x3b: {  	_ = 	snop  }
0x3c: {  	p2 =	seq.s32 s10, $0x1;
	s10 =	sld [smem:$0x3FB2]  }
0x3d: {  	_ =	shalt  }
0x3e: {  	_ =	shalt  }
0x3f: {  	_ =	shalt  }
0x40: {  	_ =	shalt  }
0x41: {  	_ =	shalt  }
0x42: {  	_ =	shalt  }
0x43: {  	_ =	shalt  }
0x44: {  	_ =	shalt  }
0x45: {  	_ =	shalt  }
0x46: {  	_ =	shalt  }
0x47: {  	_ =	shalt  }
0x48: {  	_ =	shalt  }
0x49: {  	_ =	shalt  }
0x4a: {  	_ =	shalt  }
0x4b: {  	_ =	shalt  }
0x4c: {  	_ =	shalt  }
0x4d: {  	_ =	shalt  }
0x4e: {  	_ =	shalt  }
0x4f: {  	_ =	shalt  }
0x50: {  	_ =	shalt  }
0x51: {  	_ =	shalt  }
0x52: {  	_ =	shalt  }
0x53: {  	_ =	shalt  }
0x54: {  	_ =	shalt  }
0x55: {  	_ =	shalt  }
0x56: {  	_ =	shalt  }
0x57: {  	_ =	shalt  }
0x58: {  	_ =	shalt  }
0x59: {  	_ =	shalt  }
0x5a: {  	_ =	shalt  }
0x5b: {  	_ =	shalt  }
0x5c: {  	_ =	shalt  }
0x5d: {  	_ =	shalt  }
0x5e: {  	_ =	shalt  }
0x5f: {  	_ =	shalt  }
0x60: {  	_ =	shalt  }
0x61: {  	_ =	shalt  }
0x62: {  	_ =	shalt  }
0x63: {  	_ =	shalt  }
0x64: {  	_ =	shalt  }
0x65: {  	_ =	shalt  }
0x66: {  	_ =	shalt  }
0x67: {  	_ =	shalt  }
0x68: {  	_ =	shalt  }
0x69: {  	_ =	shalt  }
0x6a: {  	_ =	shalt  }
0x6b: {  	_ =	shalt  }
0x6c: {  	_ =	shalt  }
0x6d: {  	_ =	shalt  }
0x6e: {  	_ =	shalt  }
0x6f: {  	_ =	shalt  }
0x70: {  	_ =	shalt  }
0x71: {  	_ =	shalt  }
0x72: {  	_ =	shalt  }
0x73: {  	_ =	shalt  }
0x74: {  	_ =	shalt  }
0x75: {  	_ =	shalt  }
0x76: {  	_ =	shalt  }
0x77: {  	_ =	shalt  }
0x78: {  	_ =	shalt  }
0x79: {  	_ =	shalt  }
0x7a: {  	_ =	shalt  }
0x7b: {  	_ =	shalt  }
0x7c: {  	_ =	shalt  }
0x7d: {  	_ =	shalt  }
0x7e: {  	_ =	shalt  }
0x7f: {  	_ =	shalt  }
0x80: {  	_ =	shalt  }
0x81: {  	_ =	shalt  }
0x82: {  	_ =	shalt  }
0x83: {  	_ =	shalt  }
0x84: {  	_ =	shalt  }
0x85: {  	_ =	shalt  }
0x86: {  	_ =	shalt  }
0x87: {  	_ =	shalt  }
.Lfunc_end0:
.L_simem_size_0:
called_computation.1_lowered:
.L_overlay_start_0:
0x88: {  	s2 =	sld [smem:$0x3FD9]  }
0x89: {  	s3 =	sld [smem:$0x3FFE];
	_ =	sdelay $0x1  }
0x8a: {  	s1 =	srdreg.scid  }
0x8b: {  	s0 =	sand.u32 $0x1, s1  }
0x8c: {  	s17 =	sshll.u32 s0, $0xA;
	s2 =	sadd.s32 s3, s2  }
0x8d: {  	s2 =	sadd.s32 s2, s17  }
0x8e: {  	[smem:$0x3FBE] =	sst s2  }
0x8f: {  	_ = 	snop  }
0x90: {  	s2 =	sld [smem:$0x3FD0];
	(tm) =	ssettm $0x1  }
0x91: {  	s18 =	sld [smem:$0x3FFB];
	_ =	sdelay $0x3  }
0x92: {  	_ =	strace s18  }
0x93: {  	s3 =	sld [smem:$0x3FFC];
	_ =	sdelay $0x3  }
0x94: {  	_ =	strace s3  }
0x95: {  	s3 =	sld [smem:$0x3FFD];
	_ =	sdelay $0x3  }
0x96: {  	_ =	strace s3  }
0x97: {  	_ =	strace $0x8FFFFFFF  }
0x98: {  	s19 =	sld [smem:$0x3FDB];
	_ =	sdelay $0x1  }
0x99: {  	s4 =	simm.s32 $_scs_section_size  }
0x9a: {  	s5 =	simm.s32 $_size__tile_overlayer_lowered;
	s6 =	simm.s32 $_tile_overlayer_lowered  }
0x9b: {  	s22 =	simm.s32 $0x1BFF;
	s21 =	sshll.u32 s6, $0x1;
	s3 =	sadd.s32 s4, s19  }
0x9c: {  	s7 =	simm.s32 $0x0;
	s20 =	sshll.u32 s5, $0x1;
	s5 =	sadd.s32 s21, s3  }
0x9d: {  	[timem:s7], [sflag:s22] =	dma.local [hbm:s5], s20  }
0x9e: {  	_ =	swait.ge [sflag:s22], s20  }
0x9f: {  	s4 =	ssub.s32 $0x0, s20;
	[sflag:s22] =	ssyncset.done $0x0  }
0xa0: {  	[sflag:s22] =	ssyncadd.s32 s4;
	_ =	sdelay $0x1  }
0xa1: {  	s23 =	simm.s32 $0x1B8B  }
0xa2: {  	_ =	swait.ge [sflag:s23], $0x1  }
0xa3: {  	[sflag:s23] =	ssyncset.done $0x0  }
0xa4: {  	s25 =	simm.s32 $0x1B8E;
	s24 =	sld [smem:$0x3FFE];
	[sflag:s23] =	ssyncadd.s32 $0xFFFFFFFF  }
0xa5: {  	s26 =	simm.s32 $execute0_lowered;
	[smem:$0x3FD2] =	sst s25  }
0xa6: {  	s5 =	sshll.u32 s26, $0x1;
	_ =	strace $0x80000049;
	[dreg:$0x1] =	wrdreg $0xFFFFFFFF  }
0xa7: {  	s28 =	simm.s32 $_size_execute0_lowered;
	s3 =	sadd.s32 s3, s5;
	[dreg:$0x0] =	wrdreg $0x0  }
0xa8: {  	s5 =	sshll.u32 s28, $0x1;
	[dreg:$0x2] =	wrdreg s3  }
0xa9: {  	[dreg:$0x3] =	wrdreg s5  }
0xaa: {  	[dreg:$0x4] =	wrdreg $0xC0  }
0xab: {  	_ =	task [dreg:s7], $0x5FFFF  }
0xac: {  	[dreg:$0x1] =	wrdreg $0xFFFFFFFF  }
0xad: {  	[dreg:$0x0] =	wrdreg $0x60  }
0xae: {  	[dreg:$0x2] =	wrdreg s24  }
0xaf: {  	[dreg:$0x3] =	wrdreg s2  }
0xb0: {  	[dreg:$0x4] =	wrdreg $0x41000  }
0xb1: {  	[dreg:$0x5] =	wrdreg $0x9  }
0xb2: {  	_ =	task.clear_ibuf [dreg:s7], $0x6FFFF;
	_ =	strace $0x90000049  }
0xb3: {  	s29 =	simm.s32 $0x9;
	_ =	strace $0x8000004B  }
0xb4: {  	_ =	swait.ge [sflag:s29], $0x1  }
0xb5: {  	[sflag:s29] =	ssyncadd.s32 $0xFFFFFFFF  }
0xb6: {  	_ =	strace $0x9000004B  }
0xb7: {  	_ =	sfence  }
0xb8: {  	s30 =	sld [smem:$0x0];
	_ =	sdelay $0x2  }
0xb9: {  	s31 =	sshll.u32 s1, $0xD;
	s1 =	sshrl.u32 s1, $0x2  }
0xba: {  	s3 =	sand.u32 $0x4000, s31;
	s1 =	sadd.s32 s1, s30  }
0xbb: {  	s0 =	sor.u32 s3, s0;
	s1 =	sshll.u32 s1, $0x11  }
0xbc: {  	s0 =	sor.u32 s1, s0  }
0xbd: {  	s0 =	sadd.s32 $0x8F2B, s0  }
0xbe: {  	[sflag:s0] =	ssyncadd.remote.s32 $0x1  }
0xbf: {  	_ =	sfence.sel $0xFFFF  }
0xc0: {  	[dreg:$0x0] =	wrdreg $0xFFFFFFFF;
	(pc) =	sbr.abs _section_cstart, $3  }
0xc1: {  	[dreg:$0x1] =	wrdreg $0xFFFFFFFF  }
0xc2: {  	_ =	task.clear_ibuf [dreg:s7], $0x2FFFF;
	_ =	strace $0x9FFFFFFF  }
0xc3: {  	(tm) =	ssettm $0x7FFFFFFF  }
tec
execute0_lowered:
.L_overlay_start_1:
0x0: {  	(tag) =	ssettag $0x1  }
0x1: {  	s6 =	rddreg [dreg:$0x0]  }
0x2: {  	s2 =	rddreg [dreg:$0x1];
	s0 =	srdreg.scid  }
0x3: {  	s3 =	rddreg [dreg:$0x2];
	s1 =	stileid.u32  }
0x4: {  	s4 =	simm.s32 $0x0;
	s14 =	simm.s32 $0x100;
	s8 =	smul.u32 $0x13C00, s1  }
0x5: {  	s15 =	simm.s32 $0x1;
	s16 =	simm.s32 $0x0;
	s10 =	smul.u32 $0x4F000, s1  }
0x6: {  	s7 =	sand.u32 $0x1, s0;
	s0 =	rddreg [dreg:$0x3];
	s11 =	smul.u32 $0x4F0, s1  }
0x7: {  	[smem:$0x7FF] =	sst s4;
	s30 =	sshll.u32 s1, $0x6;
	s5 =	smul.u32 $0x13C000, s7  }
0x8: {  	_ =	strace $0x8000004A;
	s9 =	smul.u32 $0x4F00, s7;
	s29 =	ssub.s32 $0x2, s7  }
0x9: {  	s7 =	sshrl.u32 s29, $0x1;
	s10 =	sshrl.u32 s10, $0x2;
	s8 =	sadd.s32 s8, s5  }
0xa: {  	s5 =	sadd.s32 $0x15E00, s6;
	s9 =	sadd.s32 s9, s6;
	s12 =	ssub.s32 s29, s7  }
0xb: {  	s13 =	sadd.s32 s10, s3;
	s8 =	sshrl.u32 s8, $0x3;
	s31 =	sadd.s32 s11, s9  }
0xc: {  	s11 =	sshrl.u32 s13, $0x3;
	s13 =	simm.s32 $0x80;
	s8 =	sadd.s32 s8, s6  }
0xd: {  	s6 =	sor.u32 $0x1C02, s30;
	s9 =	sadd.s32 $0xC000, s31;
	s10 =	sadd.s32 $0x2200, s31  }
0xe: {  	s7 =	sadd.s32 $0x3D000, s8;
	s8 =	smax.u32 s12, $0x1;
	s12 =	simm.s32 $0x2  }
.LBB2_1:
0xf: {  	[spmem:s11], [sflag:s6] =	dma.local [hbm:s2], $0x2780  }
0x10: {  	_ =	swait.ge [sflag:s12], $0x2780  }
0x11: {  	[sflag:s12] =	ssyncset.done $0x0  }
0x12: {  	[sflag:s12] =	ssyncadd.s32 $0xFFFFD880  }
0x13: {  	s17 =	sadd.s32 $0x0, s10;
	[bflag:$0x0] =	sbarrier.arrive $0xFFFF  }
0x14: {  	[tilespmem:s4], [sflag:$0x2] =	stream.linear.gather [hbm4b:s17+s4], $0x80, $0x38;
	[tilespmem:$0x17D00] =	vst v63  }
0x15: {  	_ =	swait.ge [sflag:s12], $0x80  }
0x16: {  	[sflag:s12] =	ssyncset.done $0x0  }
0x17: {  	[sflag:s12] =	ssyncadd.s32 $0xFFFFFF80  }
0x18: {  	[tilespmem:s14], [sflag:$0x1] =	stream.indirect.gather [hbm4b:s5+s13], $0x80, s4, s13, $0xb8;
	[tilespmem:$0x17D00] =	vst v63  }
0x19: {  	_ =	swait.ge [sflag:s15], $0x4000  }
0x1a: {  	[sflag:s15] =	ssyncset.done $0x0  }
0x1b: {  	s31 =	sadd.s32 $0x0, s9;
	[sflag:s15] =	ssyncadd.s32 $0xFFFFC000  }
0x1c: {  	[tilespmem:s13], [sflag:$0x2] =	stream.linear.gather [hbm4b:s31+s4], $0x80, $0x38;
	[tilespmem:$0x17D00] =	vst v63  }
0x1d: {  	_ =	swait.ge [sflag:s12], $0x80  }
0x1e: {  	[sflag:s12] =	ssyncset.done $0x0  }
0x1f: {  	[sflag:s12] =	ssyncadd.s32 $0xFFFFFF80  }
0x20: {  	[spmem:s3] =	stream.indirect.scatter.add.f32 [tilespmem:s14], [sflag:$0x2], $0x80, s13, s13, $0xb8;
	[tilespmem:$0x17D00] =	vst v63  }
0x21: {  	_ =	swait.ge [sflag:s12], $0x4000  }
0x22: {  	s18 =	simm.s32 $0x20;
	s17 =	simm.s32 $0x10;
	[sflag:s12] =	ssyncset.done $0x0  }
.LBB2_2:
0x23: {  	s19 =	sadd.s32 s17, s10  }
0x24: {  	[sflag:s12] =	ssyncadd.s32 $0xFFFFC000;
	s20 =	smov.u32 s18;
	s21 =	sadd.s32 $0x10, s18  }
0x25: {  	[tilespmem:s4], [sflag:$0x2] =	stream.linear.gather [hbm4b:s19+s4], $0x80, $0x38;
	[tilespmem:$0x17D00] =	vst v63  }
0x26: {  	p0 =	sne.s32 s18, $0x4E0;
	_ =	swait.ge [sflag:s12], $0x80  }
0x27: {  	[sflag:s12] =	ssyncset.done $0x0  }
0x28: {  	[sflag:s12] =	ssyncadd.s32 $0xFFFFFF80  }
0x29: {  	[tilespmem:s14], [sflag:$0x1] =	stream.indirect.gather [hbm4b:s5+s13], $0x80, s4, s13, $0xb8;
	[tilespmem:$0x17D00] =	vst v63  }
0x2a: {  	_ =	swait.ge [sflag:s15], $0x4000  }
0x2b: {  	[sflag:s15] =	ssyncset.done $0x0  }
0x2c: {  	s18 =	sadd.s32 s17, s9;
	s17 =	smov.u32 s20;
	[sflag:s15] =	ssyncadd.s32 $0xFFFFC000  }
0x2d: {  	[tilespmem:s13], [sflag:$0x2] =	stream.linear.gather [hbm4b:s18+s4], $0x80, $0x38;
	[tilespmem:$0x17D00] =	vst v63  }
0x2e: {  	_ =	swait.ge [sflag:s12], $0x80  }
.Ltmp0:
0x2f: {  	[sflag:s12] =	ssyncset.done $0x0;
	(pc) =	sbr.rel @p0 .LBB2_2-.Ltmp0, $4  }
0x30: {  	[sflag:s12] =	ssyncadd.s32 $0xFFFFFF80  }
0x31: {  	[spmem:s3] =	stream.indirect.scatter.add.f32 [tilespmem:s14], [sflag:$0x2], $0x80, s13, s13, $0xb8;
	[tilespmem:$0x17D00] =	vst v63  }
0x32: {  	_ =	swait.ge [sflag:s12], $0x4000  }
0x33: {  	s18 =	smov.u32 s21;
	[sflag:s12] =	ssyncset.done $0x0  }
0x34: {  	s18 =	sadd.s32 s17, s10;
	[sflag:s12] =	ssyncadd.s32 $0xFFFFC000  }
0x35: {  	[tilespmem:s4], [sflag:$0x2] =	stream.linear.gather [hbm4b:s18+s4], $0x80, $0x38;
	[tilespmem:$0x17D00] =	vst v63  }
0x36: {  	_ =	swait.ge [sflag:s12], $0x80  }
0x37: {  	[sflag:s12] =	ssyncset.done $0x0  }
0x38: {  	[sflag:s12] =	ssyncadd.s32 $0xFFFFFF80  }
0x39: {  	[tilespmem:s14], [sflag:$0x1] =	stream.indirect.gather [hbm4b:s5+s13], $0x80, s4, s13, $0xb8;
	[tilespmem:$0x17D00] =	vst v63  }
0x3a: {  	_ =	swait.ge [sflag:s15], $0x4000  }
0x3b: {  	[sflag:s15] =	ssyncset.done $0x0  }
0x3c: {  	s31 =	sadd.s32 s17, s9;
	[sflag:s15] =	ssyncadd.s32 $0xFFFFC000  }
0x3d: {  	[tilespmem:s13], [sflag:$0x2] =	stream.linear.gather [hbm4b:s31+s4], $0x80, $0x38;
	[tilespmem:$0x17D00] =	vst v63  }
0x3e: {  	_ =	swait.ge [sflag:s12], $0x80  }
0x3f: {  	[sflag:s12] =	ssyncset.done $0x0  }
0x40: {  	[sflag:s12] =	ssyncadd.s32 $0xFFFFFF80  }
0x41: {  	[spmem:s3] =	stream.indirect.scatter.add.f32 [tilespmem:s14], [sflag:$0x2], $0x80, s13, s13, $0xb8;
	[tilespmem:$0x17D00] =	vst v63  }
0x42: {  	_ =	swait.ge [sflag:s12], $0x4000  }
0x43: {  	s16 =	sadd.s32 $0x1, s16;
	[sflag:s12] =	ssyncset.done $0x0  }
0x44: {  	p0 =	sne.s32 s16, s8;
	[sflag:s12] =	ssyncadd.s32 $0xFFFFC000  }
.Ltmp1:
0x45: {  	[bflag:$0x0] =	sbarrier.arrive $0xFFFF;
	(pc) =	sbr.rel @p0 .LBB2_1-.Ltmp1, $4  }
0x46: {  	[hbm:s7], [sflag:s6] =	dma.local [spmem:s11], $0x2780  }
0x47: {  	_ =	swait.ge [sflag:s12], $0x2780  }
0x48: {  	[sflag:s12] =	ssyncset.done $0x0  }
0x49: {  	[sflag:s12] =	ssyncadd.s32 $0xFFFFD880  }
0x4a: {  	_ =	sfence.sel $0x180000  }
0x4b: {  	[bflag:$0x0] =	sbarrier.arrive $0xFFFF  }
0x4c: {  	p0 =	sne.s32 s1, $0x0;
	_ =	strace $0x9000004A  }
0x4d: {  	s0 =	sadd.s32 @!p0 $0x100000, s0;
	[bflag:$0x2] =	sbarrier.arrive $0xFFFF  }
0x4e: {  	[sflag:s0] =	ssyncadd.tile.s32 @!p0 $0x1;
	_ =	shalt  }
.Lfunc_end2:
_tile_overlayer_lowered:
.L_overlay_start_2:
0x4f: {  	(tag) =	ssettag $0x2  }
0x50: {  	s0 =	rddreg [dreg:$0x0];
	s2 =	stileid.u32  }
0x51: {  	s1 =	rddreg [dreg:$0x1];
	p0 =	sne.s32 s2, $0x0  }
0x52: {  	s3 =	rddreg [dreg:$0x2];
	[bflag:$0x3] =	sbarrier.arrive $0xFFFF;
	s2 =	simm.s32 @!p0 $0x1C02  }
0x53: {  	[timem:s3], [sflag:s2] =	dma.local @!p0 [hbm:s0], s1  }
0x54: {  	s0 =	simm.s32 @!p0 $0x2  }
0x55: {  	_ =	swait.ge @!p0 [sflag:s0], s1  }
0x56: {  	s1 =	ssub.s32 @!p0 $0x0, s1;
	[sflag:s0] =	ssyncset.done @!p0 $0x0  }
0x57: {  	[sflag:s0] =	ssyncadd.s32 @!p0 s1  }
0x58: {  	[bflag:$0x3] =	sbarrier.arrive $0xFFFF  }
0x59: {  	_ =	shalt  }

// kernel: kernel.15.cloned.1.call-start
scs
__scs_entry_jumppad:
0x0: {  	(pc) =	sbr.rel $0x88, $3  }
0x1: {  	(tag) =	ssettag $0x0;
	lr =	simm.s32 $0x1  }
0x2: {  	[smem:$0x3F97] =	sst lr;
	_ =	strace $0xD0000000  }
0x3: {  	_ = 	snop  }
0x4: {  	_ = 	snop  }
0x5: {  	_ = 	snop  }
0x6: {  	_ = 	snop  }
0x7: {  	_ = 	snop  }
__scs_overlays_trampoline_lowered:
0x8: {  	[smem:$0x3FA6] =	sst s0  }
0x9: {  	[smem:$0x3FA7] =	sst s1  }
0xa: {  	[smem:$0x3FA8] =	sst s2  }
0xb: {  	[smem:$0x3FA9] =	sst s3  }
0xc: {  	[smem:$0x3FAA] =	sst s4  }
0xd: {  	[smem:$0x3FAB] =	sst s5  }
0xe: {  	[smem:$0x3FAC] =	sst s6  }
0xf: {  	[smem:$0x3FAD] =	sst s7  }
0x10: {  	[smem:$0x3FAE] =	sst s8  }
0x11: {  	[smem:$0x3FAF] =	sst s9;
	s0 =	simm.s32 @!p0 $0x0  }
0x12: {  	s1 =	sld [smem:$0x3F95];
	s0 =	simm.s32 @p0 $0x1  }
0x13: {  	[smem:$0x3FB0] =	sst s0;
	s0 =	simm.s32 @!p1 $0x0  }
0x14: {  	s2 =	sld [smem:$0x3F94];
	s0 =	simm.s32 @p1 $0x1  }
0x15: {  	[smem:$0x3FB1] =	sst s0;
	s0 =	simm.s32 @!p2 $0x0  }
0x16: {  	s3 =	sld [smem:$0x3FDB];
	s0 =	simm.s32 @p2 $0x1  }
0x17: {  	s4 =	simm.s32 $0x1BF5;
	[smem:$0x3FB3] =	sst s0  }
0x18: {  	s0 =	sld [smem:$0x3F96];
	_ =	swait.ge [sflag:s4], $0x0  }
0x19: {  	s7 =	sld [smem:$0x3F97]  }
0x1a: {  	s8 =	sadd.s32 $0xFFFFE003, lr  }
0x1b: {  	s9 =	sadd.s32 $0xFFFFFEF7, lr;
	s5 =	simm.s32 $0xFFFFFFFF;
	p2 =	slt.u32 s8, $0xFFFFF086  }
0x1c: {  	p1 =	slt.u32 s9, $0xF7A;
	s5 =	simm.s32 @!p2 $0x0  }
0x1d: {  	s5 =	simm.s32 @p1 $0x1;
	p0 =	seq.s32 s7, s2  }
0x1e: {  	s7 =	smul.u32 @!p0 $0xF7A, s2;
	p2 =	seq.s32 @!p0 s5, $0x0  }
0x1f: {  	s9 =	smul.u32 $0xF7A, s1;
	s8 =	simm.s32 @!p0 $0x1BF5;
	p2 =	por !p2, p0  }
0x20: {  	[sflag:s8] =	ssyncset.s32 @!p0 $0xFFFFF086;
	s6 =	sadd.s32 @!p0 s3, s7;
	s7 =	simm.s32 @!p0 $0x108  }
0x21: {  	s3 =	sadd.s32 s3, s9;
	s6 =	sadd.s32 @!p0 $0x88, s6;
	s7 =	simm.s32 @p2 $0x1082  }
0x22: {  	[simem:s7], [sflag:s8] =	dma.local @!p0 [hbm:s6], $0xF7A  }
0x23: {  	s9 =	sor.u32 $0xD0000000, s2;
	s6 =	simm.s32 $0x108;
	_ =	swait.ge @!p0 [sflag:s8], $0x0  }
0x24: {  	s3 =	sadd.s32 $0x88, s3;
	s6 =	simm.s32 @!p1 $0x1082;
	[sflag:s4] =	ssyncset.s32 $0xFFFFF086  }
0x25: {  	[simem:s6], [sflag:s4] =	dma.local [hbm:s3], $0xF7A  }
0x26: {  	[smem:$0x3F97] =	sst s1;
	(tag) =	ssettag s2;
	_ =	strace s9  }
0x27: {  	s1 =	sld [smem:$0x3FA7]  }
0x28: {  	s2 =	sld [smem:$0x3FA8]  }
0x29: {  	s4 =	sld [smem:$0x3FAA]  }
0x2a: {  	p0 =	seq.s32 s5, $0x0;
	s5 =	sld [smem:$0x3FAB]  }
0x2b: {  	s6 =	sld [smem:$0x3FAC]  }
0x2c: {  	s7 =	sld [smem:$0x3FAD]  }
0x2d: {  	s3 =	simm.s32 $0x108;
	s8 =	sld [smem:$0x3FAE]  }
0x2e: {  	s3 =	simm.s32 @!p0 $0x1082;
	s9 =	sld [smem:$0x3FAF]  }
0x2f: {  	lr =	sadd.s32 s0, s3;
	s0 =	sld [smem:$0x3FA6]  }
0x30: {  	s3 =	sld [smem:$0x3FA9]  }
0x31: {  	[smem:$0x3FB2] =	sst s10  }
0x32: {  	s10 =	sld [smem:$0x3FB0];
	_ =	sdelay $0x3  }
0x33: {  	p0 =	seq.s32 s10, $0x1;
	s10 =	sld [smem:$0x3FB2];
	_ =	sdelay $0x3  }
0x34: {  	[smem:$0x3FB2] =	sst s10  }
0x35: {  	s10 =	sld [smem:$0x3FB1];
	_ =	sdelay $0x3  }
0x36: {  	p1 =	seq.s32 s10, $0x1;
	s10 =	sld [smem:$0x3FB2];
	_ =	sdelay $0x3  }
0x37: {  	[smem:$0x3FB2] =	sst s10  }
0x38: {  	s10 =	sld [smem:$0x3FB3]  }
0x39: {  	_ = 	snop;
	(pc) =	sbr.ind lr, $3  }
0x3a: {  	_ = 	snop  }
0x3b: {  	_ = 	snop  }
0x3c: {  	p2 =	seq.s32 s10, $0x1;
	s10 =	sld [smem:$0x3FB2]  }
0x3d: {  	_ =	shalt  }
0x3e: {  	_ =	shalt  }
0x3f: {  	_ =	shalt  }
0x40: {  	_ =	shalt  }
0x41: {  	_ =	shalt  }
0x42: {  	_ =	shalt  }
0x43: {  	_ =	shalt  }
0x44: {  	_ =	shalt  }
0x45: {  	_ =	shalt  }
0x46: {  	_ =	shalt  }
0x47: {  	_ =	shalt  }
0x48: {  	_ =	shalt  }
0x49: {  	_ =	shalt  }
0x4a: {  	_ =	shalt  }
0x4b: {  	_ =	shalt  }
0x4c: {  	_ =	shalt  }
0x4d: {  	_ =	shalt  }
0x4e: {  	_ =	shalt  }
0x4f: {  	_ =	shalt  }
0x50: {  	_ =	shalt  }
0x51: {  	_ =	shalt  }
0x52: {  	_ =	shalt  }
0x53: {  	_ =	shalt  }
0x54: {  	_ =	shalt  }
0x55: {  	_ =	shalt  }
0x56: {  	_ =	shalt  }
0x57: {  	_ =	shalt  }
0x58: {  	_ =	shalt  }
0x59: {  	_ =	shalt  }
0x5a: {  	_ =	shalt  }
0x5b: {  	_ =	shalt  }
0x5c: {  	_ =	shalt  }
0x5d: {  	_ =	shalt  }
0x5e: {  	_ =	shalt  }
0x5f: {  	_ =	shalt  }
0x60: {  	_ =	shalt  }
0x61: {  	_ =	shalt  }
0x62: {  	_ =	shalt  }
0x63: {  	_ =	shalt  }
0x64: {  	_ =	shalt  }
0x65: {  	_ =	shalt  }
0x66: {  	_ =	shalt  }
0x67: {  	_ =	shalt  }
0x68: {  	_ =	shalt  }
0x69: {  	_ =	shalt  }
0x6a: {  	_ =	shalt  }
0x6b: {  	_ =	shalt  }
0x6c: {  	_ =	shalt  }
0x6d: {  	_ =	shalt  }
0x6e: {  	_ =	shalt  }
0x6f: {  	_ =	shalt  }
0x70: {  	_ =	shalt  }
0x71: {  	_ =	shalt  }
0x72: {  	_ =	shalt  }
0x73: {  	_ =	shalt  }
0x74: {  	_ =	shalt  }
0x75: {  	_ =	shalt  }
0x76: {  	_ =	shalt  }
0x77: {  	_ =	shalt  }
0x78: {  	_ =	shalt  }
0x79: {  	_ =	shalt  }
0x7a: {  	_ =	shalt  }
0x7b: {  	_ =	shalt  }
0x7c: {  	_ =	shalt  }
0x7d: {  	_ =	shalt  }
0x7e: {  	_ =	shalt  }
0x7f: {  	_ =	shalt  }
0x80: {  	_ =	shalt  }
0x81: {  	_ =	shalt  }
0x82: {  	_ =	shalt  }
0x83: {  	_ =	shalt  }
0x84: {  	_ =	shalt  }
0x85: {  	_ =	shalt  }
0x86: {  	_ =	shalt  }
0x87: {  	_ =	shalt  }
.Lfunc_end0:
.L_simem_size_0:
called_computation.2_lowered:
.L_overlay_start_0:
0x88: {  	s2 =	sld [smem:$0x3FD9]  }
0x89: {  	s3 =	sld [smem:$0x3FFE];
	_ =	sdelay $0x1  }
0x8a: {  	s1 =	srdreg.scid  }
0x8b: {  	s0 =	sand.u32 $0x1, s1  }
0x8c: {  	s17 =	sshll.u32 s0, $0xA;
	s2 =	sadd.s32 s3, s2  }
0x8d: {  	s2 =	sadd.s32 s2, s17  }
0x8e: {  	[smem:$0x3FBE] =	sst s2  }
0x8f: {  	_ = 	snop  }
0x90: {  	s2 =	sld [smem:$0x3FD0];
	(tm) =	ssettm $0x1  }
0x91: {  	s18 =	sld [smem:$0x3FFB];
	_ =	sdelay $0x3  }
0x92: {  	_ =	strace s18  }
0x93: {  	s3 =	sld [smem:$0x3FFC];
	_ =	sdelay $0x3  }
0x94: {  	_ =	strace s3  }
0x95: {  	s3 =	sld [smem:$0x3FFD];
	_ =	sdelay $0x3  }
0x96: {  	_ =	strace s3  }
0x97: {  	_ =	strace $0x8FFFFFFF  }
0x98: {  	s19 =	sld [smem:$0x3FDB];
	_ =	sdelay $0x1  }
0x99: {  	s4 =	simm.s32 $_scs_section_size  }
0x9a: {  	s5 =	simm.s32 $_size__tile_overlayer_lowered;
	s6 =	simm.s32 $_tile_overlayer_lowered  }
0x9b: {  	s22 =	simm.s32 $0x1BFF;
	s21 =	sshll.u32 s6, $0x1;
	s3 =	sadd.s32 s4, s19  }
0x9c: {  	s7 =	simm.s32 $0x0;
	s20 =	sshll.u32 s5, $0x1;
	s5 =	sadd.s32 s21, s3  }
0x9d: {  	[timem:s7], [sflag:s22] =	dma.local [hbm:s5], s20  }
0x9e: {  	_ =	swait.ge [sflag:s22], s20  }
0x9f: {  	s4 =	ssub.s32 $0x0, s20;
	[sflag:s22] =	ssyncset.done $0x0  }
0xa0: {  	[sflag:s22] =	ssyncadd.s32 s4;
	_ =	sdelay $0x1  }
0xa1: {  	s23 =	simm.s32 $0x1B8B  }
0xa2: {  	_ =	swait.ge [sflag:s23], $0x1  }
0xa3: {  	[sflag:s23] =	ssyncset.done $0x0  }
0xa4: {  	s25 =	simm.s32 $0x1B8E;
	s24 =	sld [smem:$0x3FFE];
	[sflag:s23] =	ssyncadd.s32 $0xFFFFFFFF  }
0xa5: {  	s26 =	simm.s32 $execute0_lowered;
	[smem:$0x3FD2] =	sst s25  }
0xa6: {  	s5 =	sshll.u32 s26, $0x1;
	_ =	strace $0x8000004C;
	[dreg:$0x1] =	wrdreg $0xFFFFFFFF  }
0xa7: {  	s28 =	simm.s32 $_size_execute0_lowered;
	s3 =	sadd.s32 s3, s5;
	[dreg:$0x0] =	wrdreg $0x0  }
0xa8: {  	s5 =	sshll.u32 s28, $0x1;
	[dreg:$0x2] =	wrdreg s3  }
0xa9: {  	[dreg:$0x3] =	wrdreg s5  }
0xaa: {  	[dreg:$0x4] =	wrdreg $0xC0  }
0xab: {  	_ =	task [dreg:s7], $0x5FFFF  }
0xac: {  	[dreg:$0x1] =	wrdreg $0xFFFFFFFF  }
0xad: {  	[dreg:$0x0] =	wrdreg $0x60  }
0xae: {  	[dreg:$0x2] =	wrdreg s24  }
0xaf: {  	[dreg:$0x3] =	wrdreg s2  }
0xb0: {  	[dreg:$0x4] =	wrdreg $0x41000  }
0xb1: {  	[dreg:$0x5] =	wrdreg $0x9  }
0xb2: {  	_ =	task.clear_ibuf [dreg:s7], $0x6FFFF;
	_ =	strace $0x9000004C  }
0xb3: {  	s29 =	simm.s32 $0x9;
	_ =	strace $0x8000004E  }
0xb4: {  	_ =	swait.ge [sflag:s29], $0x1  }
0xb5: {  	[sflag:s29] =	ssyncadd.s32 $0xFFFFFFFF  }
0xb6: {  	_ =	strace $0x9000004E  }
0xb7: {  	_ =	sfence  }
0xb8: {  	s30 =	sld [smem:$0x0];
	_ =	sdelay $0x2  }
0xb9: {  	s31 =	sshll.u32 s1, $0xD;
	s1 =	sshrl.u32 s1, $0x2  }
0xba: {  	s3 =	sand.u32 $0x4000, s31;
	s1 =	sadd.s32 s1, s30  }
0xbb: {  	s0 =	sor.u32 s3, s0;
	s1 =	sshll.u32 s1, $0x11  }
0xbc: {  	s0 =	sor.u32 s1, s0  }
0xbd: {  	s0 =	sadd.s32 $0x8F2B, s0  }
0xbe: {  	[sflag:s0] =	ssyncadd.remote.s32 $0x1  }
0xbf: {  	_ =	sfence.sel $0xFFFF  }
0xc0: {  	[dreg:$0x0] =	wrdreg $0xFFFFFFFF;
	(pc) =	sbr.abs _section_cstart, $3  }
0xc1: {  	[dreg:$0x1] =	wrdreg $0xFFFFFFFF  }
0xc2: {  	_ =	task.clear_ibuf [dreg:s7], $0x2FFFF;
	_ =	strace $0x9FFFFFFF  }
0xc3: {  	(tm) =	ssettm $0x7FFFFFFF  }
tec
execute0_lowered:
.L_overlay_start_1:
0x0: {  	(tag) =	ssettag $0x1  }
0x1: {  	s6 =	rddreg [dreg:$0x0]  }
0x2: {  	s2 =	rddreg [dreg:$0x1];
	s0 =	srdreg.scid  }
0x3: {  	s3 =	rddreg [dreg:$0x2];
	s1 =	stileid.u32  }
0x4: {  	s4 =	simm.s32 $0x0;
	s14 =	simm.s32 $0x100;
	s8 =	smul.u32 $0x13C00, s1  }
0x5: {  	s15 =	simm.s32 $0x1;
	s16 =	simm.s32 $0x0;
	s10 =	smul.u32 $0x4F000, s1  }
0x6: {  	s7 =	sand.u32 $0x1, s0;
	s0 =	rddreg [dreg:$0x3];
	s11 =	smul.u32 $0x4F0, s1  }
0x7: {  	[smem:$0x7FF] =	sst s4;
	s30 =	sshll.u32 s1, $0x6;
	s5 =	smul.u32 $0x13C000, s7  }
0x8: {  	_ =	strace $0x8000004D;
	s9 =	smul.u32 $0x4F00, s7;
	s29 =	ssub.s32 $0x2, s7  }
0x9: {  	s7 =	sshrl.u32 s29, $0x1;
	s10 =	sshrl.u32 s10, $0x2;
	s8 =	sadd.s32 s8, s5  }
0xa: {  	s5 =	sadd.s32 $0x15E00, s6;
	s9 =	sadd.s32 s9, s6;
	s12 =	ssub.s32 s29, s7  }
0xb: {  	s13 =	sadd.s32 s10, s3;
	s8 =	sshrl.u32 s8, $0x3;
	s31 =	sadd.s32 s11, s9  }
0xc: {  	s11 =	sshrl.u32 s13, $0x3;
	s13 =	simm.s32 $0x80;
	s8 =	sadd.s32 s8, s6  }
0xd: {  	s6 =	sor.u32 $0x1C02, s30;
	s9 =	sadd.s32 $0xC000, s31;
	s10 =	sadd.s32 $0x2200, s31  }
0xe: {  	s7 =	sadd.s32 $0x3D000, s8;
	s8 =	smax.u32 s12, $0x1;
	s12 =	simm.s32 $0x2  }
.LBB2_1:
0xf: {  	[spmem:s11], [sflag:s6] =	dma.local [hbm:s2], $0x2780  }
0x10: {  	_ =	swait.ge [sflag:s12], $0x2780  }
0x11: {  	[sflag:s12] =	ssyncset.done $0x0  }
0x12: {  	[sflag:s12] =	ssyncadd.s32 $0xFFFFD880  }
0x13: {  	s17 =	sadd.s32 $0x0, s10;
	[bflag:$0x0] =	sbarrier.arrive $0xFFFF  }
0x14: {  	[tilespmem:s4], [sflag:$0x2] =	stream.linear.gather [hbm4b:s17+s4], $0x80, $0x38;
	[tilespmem:$0x17D00] =	vst v63  }
0x15: {  	_ =	swait.ge [sflag:s12], $0x80  }
0x16: {  	[sflag:s12] =	ssyncset.done $0x0  }
0x17: {  	[sflag:s12] =	ssyncadd.s32 $0xFFFFFF80  }
0x18: {  	[tilespmem:s14], [sflag:$0x1] =	stream.indirect.gather [hbm4b:s5+s13], $0x80, s4, s13, $0xb8;
	[tilespmem:$0x17D00] =	vst v63  }
0x19: {  	_ =	swait.ge [sflag:s15], $0x4000  }
0x1a: {  	[sflag:s15] =	ssyncset.done $0x0  }
0x1b: {  	s31 =	sadd.s32 $0x0, s9;
	[sflag:s15] =	ssyncadd.s32 $0xFFFFC000  }
0x1c: {  	[tilespmem:s13], [sflag:$0x2] =	stream.linear.gather [hbm4b:s31+s4], $0x80, $0x38;
	[tilespmem:$0x17D00] =	vst v63  }
0x1d: {  	_ =	swait.ge [sflag:s12], $0x80  }
0x1e: {  	[sflag:s12] =	ssyncset.done $0x0  }
0x1f: {  	[sflag:s12] =	ssyncadd.s32 $0xFFFFFF80  }
0x20: {  	[spmem:s3] =	stream.indirect.scatter.add.f32 [tilespmem:s14], [sflag:$0x2], $0x80, s13, s13, $0xb8;
	[tilespmem:$0x17D00] =	vst v63  }
0x21: {  	_ =	swait.ge [sflag:s12], $0x4000  }
0x22: {  	s18 =	simm.s32 $0x20;
	s17 =	simm.s32 $0x10;
	[sflag:s12] =	ssyncset.done $0x0  }
.LBB2_2:
0x23: {  	s19 =	sadd.s32 s17, s10  }
0x24: {  	[sflag:s12] =	ssyncadd.s32 $0xFFFFC000;
	s20 =	smov.u32 s18;
	s21 =	sadd.s32 $0x10, s18  }
0x25: {  	[tilespmem:s4], [sflag:$0x2] =	stream.linear.gather [hbm4b:s19+s4], $0x80, $0x38;
	[tilespmem:$0x17D00] =	vst v63  }
0x26: {  	p0 =	sne.s32 s18, $0x4E0;
	_ =	swait.ge [sflag:s12], $0x80  }
0x27: {  	[sflag:s12] =	ssyncset.done $0x0  }
0x28: {  	[sflag:s12] =	ssyncadd.s32 $0xFFFFFF80  }
0x29: {  	[tilespmem:s14], [sflag:$0x1] =	stream.indirect.gather [hbm4b:s5+s13], $0x80, s4, s13, $0xb8;
	[tilespmem:$0x17D00] =	vst v63  }
0x2a: {  	_ =	swait.ge [sflag:s15], $0x4000  }
0x2b: {  	[sflag:s15] =	ssyncset.done $0x0  }
0x2c: {  	s18 =	sadd.s32 s17, s9;
	s17 =	smov.u32 s20;
	[sflag:s15] =	ssyncadd.s32 $0xFFFFC000  }
0x2d: {  	[tilespmem:s13], [sflag:$0x2] =	stream.linear.gather [hbm4b:s18+s4], $0x80, $0x38;
	[tilespmem:$0x17D00] =	vst v63  }
0x2e: {  	_ =	swait.ge [sflag:s12], $0x80  }
.Ltmp0:
0x2f: {  	[sflag:s12] =	ssyncset.done $0x0;
	(pc) =	sbr.rel @p0 .LBB2_2-.Ltmp0, $4  }
0x30: {  	[sflag:s12] =	ssyncadd.s32 $0xFFFFFF80  }
0x31: {  	[spmem:s3] =	stream.indirect.scatter.add.f32 [tilespmem:s14], [sflag:$0x2], $0x80, s13, s13, $0xb8;
	[tilespmem:$0x17D00] =	vst v63  }
0x32: {  	_ =	swait.ge [sflag:s12], $0x4000  }
0x33: {  	s18 =	smov.u32 s21;
	[sflag:s12] =	ssyncset.done $0x0  }
0x34: {  	s18 =	sadd.s32 s17, s10;
	[sflag:s12] =	ssyncadd.s32 $0xFFFFC000  }
0x35: {  	[tilespmem:s4], [sflag:$0x2] =	stream.linear.gather [hbm4b:s18+s4], $0x80, $0x38;
	[tilespmem:$0x17D00] =	vst v63  }
0x36: {  	_ =	swait.ge [sflag:s12], $0x80  }
0x37: {  	[sflag:s12] =	ssyncset.done $0x0  }
0x38: {  	[sflag:s12] =	ssyncadd.s32 $0xFFFFFF80  }
0x39: {  	[tilespmem:s14], [sflag:$0x1] =	stream.indirect.gather [hbm4b:s5+s13], $0x80, s4, s13, $0xb8;
	[tilespmem:$0x17D00] =	vst v63  }
0x3a: {  	_ =	swait.ge [sflag:s15], $0x4000  }
0x3b: {  	[sflag:s15] =	ssyncset.done $0x0  }
0x3c: {  	s31 =	sadd.s32 s17, s9;
	[sflag:s15] =	ssyncadd.s32 $0xFFFFC000  }
0x3d: {  	[tilespmem:s13], [sflag:$0x2] =	stream.linear.gather [hbm4b:s31+s4], $0x80, $0x38;
	[tilespmem:$0x17D00] =	vst v63  }
0x3e: {  	_ =	swait.ge [sflag:s12], $0x80  }
0x3f: {  	[sflag:s12] =	ssyncset.done $0x0  }
0x40: {  	[sflag:s12] =	ssyncadd.s32 $0xFFFFFF80  }
0x41: {  	[spmem:s3] =	stream.indirect.scatter.add.f32 [tilespmem:s14], [sflag:$0x2], $0x80, s13, s13, $0xb8;
	[tilespmem:$0x17D00] =	vst v63  }
0x42: {  	_ =	swait.ge [sflag:s12], $0x4000  }
0x43: {  	s16 =	sadd.s32 $0x1, s16;
	[sflag:s12] =	ssyncset.done $0x0  }
0x44: {  	p0 =	sne.s32 s16, s8;
	[sflag:s12] =	ssyncadd.s32 $0xFFFFC000  }
.Ltmp1:
0x45: {  	[bflag:$0x0] =	sbarrier.arrive $0xFFFF;
	(pc) =	sbr.rel @p0 .LBB2_1-.Ltmp1, $4  }
0x46: {  	[hbm:s7], [sflag:s6] =	dma.local [spmem:s11], $0x2780  }
0x47: {  	_ =	swait.ge [sflag:s12], $0x2780  }
0x48: {  	[sflag:s12] =	ssyncset.done $0x0  }
0x49: {  	[sflag:s12] =	ssyncadd.s32 $0xFFFFD880  }
0x4a: {  	_ =	sfence.sel $0x180000  }
0x4b: {  	[bflag:$0x0] =	sbarrier.arrive $0xFFFF  }
0x4c: {  	p0 =	sne.s32 s1, $0x0;
	_ =	strace $0x9000004D  }
0x4d: {  	s0 =	sadd.s32 @!p0 $0x100000, s0;
	[bflag:$0x2] =	sbarrier.arrive $0xFFFF  }
0x4e: {  	[sflag:s0] =	ssyncadd.tile.s32 @!p0 $0x1;
	_ =	shalt  }
.Lfunc_end2:
_tile_overlayer_lowered:
.L_overlay_start_2:
0x4f: {  	(tag) =	ssettag $0x2  }
0x50: {  	s0 =	rddreg [dreg:$0x0];
	s2 =	stileid.u32  }
0x51: {  	s1 =	rddreg [dreg:$0x1];
	p0 =	sne.s32 s2, $0x0  }
0x52: {  	s3 =	rddreg [dreg:$0x2];
	[bflag:$0x3] =	sbarrier.arrive $0xFFFF;
	s2 =	simm.s32 @!p0 $0x1C02  }
0x53: {  	[timem:s3], [sflag:s2] =	dma.local @!p0 [hbm:s0], s1  }
0x54: {  	s0 =	simm.s32 @!p0 $0x2  }
0x55: {  	_ =	swait.ge @!p0 [sflag:s0], s1  }
0x56: {  	s1 =	ssub.s32 @!p0 $0x0, s1;
	[sflag:s0] =	ssyncset.done @!p0 $0x0  }
0x57: {  	[sflag:s0] =	ssyncadd.s32 @!p0 s1  }
0x58: {  	[bflag:$0x3] =	sbarrier.arrive $0xFFFF  }
0x59: {  	_ =	shalt  }

// kernel: kernel.9.cloned.1.call-start
scs
__scs_entry_jumppad:
0x0: {  	(pc) =	sbr.rel $0x88, $3  }
0x1: {  	(tag) =	ssettag $0x0;
	lr =	simm.s32 $0x1  }
0x2: {  	[smem:$0x3F97] =	sst lr;
	_ =	strace $0xD0000000  }
0x3: {  	_ = 	snop  }
0x4: {  	_ = 	snop  }
0x5: {  	_ = 	snop  }
0x6: {  	_ = 	snop  }
0x7: {  	_ = 	snop  }
__scs_overlays_trampoline_lowered:
0x8: {  	[smem:$0x3FA6] =	sst s0  }
0x9: {  	[smem:$0x3FA7] =	sst s1  }
0xa: {  	[smem:$0x3FA8] =	sst s2  }
0xb: {  	[smem:$0x3FA9] =	sst s3  }
0xc: {  	[smem:$0x3FAA] =	sst s4  }
0xd: {  	[smem:$0x3FAB] =	sst s5  }
0xe: {  	[smem:$0x3FAC] =	sst s6  }
0xf: {  	[smem:$0x3FAD] =	sst s7  }
0x10: {  	[smem:$0x3FAE] =	sst s8  }
0x11: {  	[smem:$0x3FAF] =	sst s9;
	s0 =	simm.s32 @!p0 $0x0  }
0x12: {  	s1 =	sld [smem:$0x3F95];
	s0 =	simm.s32 @p0 $0x1  }
0x13: {  	[smem:$0x3FB0] =	sst s0;
	s0 =	simm.s32 @!p1 $0x0  }
0x14: {  	s2 =	sld [smem:$0x3F94];
	s0 =	simm.s32 @p1 $0x1  }
0x15: {  	[smem:$0x3FB1] =	sst s0;
	s0 =	simm.s32 @!p2 $0x0  }
0x16: {  	s3 =	sld [smem:$0x3FDB];
	s0 =	simm.s32 @p2 $0x1  }
0x17: {  	s4 =	simm.s32 $0x1BF5;
	[smem:$0x3FB3] =	sst s0  }
0x18: {  	s0 =	sld [smem:$0x3F96];
	_ =	swait.ge [sflag:s4], $0x0  }
0x19: {  	s7 =	sld [smem:$0x3F97]  }
0x1a: {  	s8 =	sadd.s32 $0xFFFFE003, lr  }
0x1b: {  	s9 =	sadd.s32 $0xFFFFFEF7, lr;
	s5 =	simm.s32 $0xFFFFFFFF;
	p2 =	slt.u32 s8, $0xFFFFF086  }
0x1c: {  	p1 =	slt.u32 s9, $0xF7A;
	s5 =	simm.s32 @!p2 $0x0  }
0x1d: {  	s5 =	simm.s32 @p1 $0x1;
	p0 =	seq.s32 s7, s2  }
0x1e: {  	s7 =	smul.u32 @!p0 $0xF7A, s2;
	p2 =	seq.s32 @!p0 s5, $0x0  }
0x1f: {  	s9 =	smul.u32 $0xF7A, s1;
	s8 =	simm.s32 @!p0 $0x1BF5;
	p2 =	por !p2, p0  }
0x20: {  	[sflag:s8] =	ssyncset.s32 @!p0 $0xFFFFF086;
	s6 =	sadd.s32 @!p0 s3, s7;
	s7 =	simm.s32 @!p0 $0x108  }
0x21: {  	s3 =	sadd.s32 s3, s9;
	s6 =	sadd.s32 @!p0 $0x88, s6;
	s7 =	simm.s32 @p2 $0x1082  }
0x22: {  	[simem:s7], [sflag:s8] =	dma.local @!p0 [hbm:s6], $0xF7A  }
0x23: {  	s9 =	sor.u32 $0xD0000000, s2;
	s6 =	simm.s32 $0x108;
	_ =	swait.ge @!p0 [sflag:s8], $0x0  }
0x24: {  	s3 =	sadd.s32 $0x88, s3;
	s6 =	simm.s32 @!p1 $0x1082;
	[sflag:s4] =	ssyncset.s32 $0xFFFFF086  }
0x25: {  	[simem:s6], [sflag:s4] =	dma.local [hbm:s3], $0xF7A  }
0x26: {  	[smem:$0x3F97] =	sst s1;
	(tag) =	ssettag s2;
	_ =	strace s9  }
0x27: {  	s1 =	sld [smem:$0x3FA7]  }
0x28: {  	s2 =	sld [smem:$0x3FA8]  }
0x29: {  	s4 =	sld [smem:$0x3FAA]  }
0x2a: {  	p0 =	seq.s32 s5, $0x0;
	s5 =	sld [smem:$0x3FAB]  }
0x2b: {  	s6 =	sld [smem:$0x3FAC]  }
0x2c: {  	s7 =	sld [smem:$0x3FAD]  }
0x2d: {  	s3 =	simm.s32 $0x108;
	s8 =	sld [smem:$0x3FAE]  }
0x2e: {  	s3 =	simm.s32 @!p0 $0x1082;
	s9 =	sld [smem:$0x3FAF]  }
0x2f: {  	lr =	sadd.s32 s0, s3;
	s0 =	sld [smem:$0x3FA6]  }
0x30: {  	s3 =	sld [smem:$0x3FA9]  }
0x31: {  	[smem:$0x3FB2] =	sst s10  }
0x32: {  	s10 =	sld [smem:$0x3FB0];
	_ =	sdelay $0x3  }
0x33: {  	p0 =	seq.s32 s10, $0x1;
	s10 =	sld [smem:$0x3FB2];
	_ =	sdelay $0x3  }
0x34: {  	[smem:$0x3FB2] =	sst s10  }
0x35: {  	s10 =	sld [smem:$0x3FB1];
	_ =	sdelay $0x3  }
0x36: {  	p1 =	seq.s32 s10, $0x1;
	s10 =	sld [smem:$0x3FB2];
	_ =	sdelay $0x3  }
0x37: {  	[smem:$0x3FB2] =	sst s10  }
0x38: {  	s10 =	sld [smem:$0x3FB3]  }
0x39: {  	_ = 	snop;
	(pc) =	sbr.ind lr, $3  }
0x3a: {  	_ = 	snop  }
0x3b: {  	_ = 	snop  }
0x3c: {  	p2 =	seq.s32 s10, $0x1;
	s10 =	sld [smem:$0x3FB2]  }
0x3d: {  	_ =	shalt  }
0x3e: {  	_ =	shalt  }
0x3f: {  	_ =	shalt  }
0x40: {  	_ =	shalt  }
0x41: {  	_ =	shalt  }
0x42: {  	_ =	shalt  }
0x43: {  	_ =	shalt  }
0x44: {  	_ =	shalt  }
0x45: {  	_ =	shalt  }
0x46: {  	_ =	shalt  }
0x47: {  	_ =	shalt  }
0x48: {  	_ =	shalt  }
0x49: {  	_ =	shalt  }
0x4a: {  	_ =	shalt  }
0x4b: {  	_ =	shalt  }
0x4c: {  	_ =	shalt  }
0x4d: {  	_ =	shalt  }
0x4e: {  	_ =	shalt  }
0x4f: {  	_ =	shalt  }
0x50: {  	_ =	shalt  }
0x51: {  	_ =	shalt  }
0x52: {  	_ =	shalt  }
0x53: {  	_ =	shalt  }
0x54: {  	_ =	shalt  }
0x55: {  	_ =	shalt  }
0x56: {  	_ =	shalt  }
0x57: {  	_ =	shalt  }
0x58: {  	_ =	shalt  }
0x59: {  	_ =	shalt  }
0x5a: {  	_ =	shalt  }
0x5b: {  	_ =	shalt  }
0x5c: {  	_ =	shalt  }
0x5d: {  	_ =	shalt  }
0x5e: {  	_ =	shalt  }
0x5f: {  	_ =	shalt  }
0x60: {  	_ =	shalt  }
0x61: {  	_ =	shalt  }
0x62: {  	_ =	shalt  }
0x63: {  	_ =	shalt  }
0x64: {  	_ =	shalt  }
0x65: {  	_ =	shalt  }
0x66: {  	_ =	shalt  }
0x67: {  	_ =	shalt  }
0x68: {  	_ =	shalt  }
0x69: {  	_ =	shalt  }
0x6a: {  	_ =	shalt  }
0x6b: {  	_ =	shalt  }
0x6c: {  	_ =	shalt  }
0x6d: {  	_ =	shalt  }
0x6e: {  	_ =	shalt  }
0x6f: {  	_ =	shalt  }
0x70: {  	_ =	shalt  }
0x71: {  	_ =	shalt  }
0x72: {  	_ =	shalt  }
0x73: {  	_ =	shalt  }
0x74: {  	_ =	shalt  }
0x75: {  	_ =	shalt  }
0x76: {  	_ =	shalt  }
0x77: {  	_ =	shalt  }
0x78: {  	_ =	shalt  }
0x79: {  	_ =	shalt  }
0x7a: {  	_ =	shalt  }
0x7b: {  	_ =	shalt  }
0x7c: {  	_ =	shalt  }
0x7d: {  	_ =	shalt  }
0x7e: {  	_ =	shalt  }
0x7f: {  	_ =	shalt  }
0x80: {  	_ =	shalt  }
0x81: {  	_ =	shalt  }
0x82: {  	_ =	shalt  }
0x83: {  	_ =	shalt  }
0x84: {  	_ =	shalt  }
0x85: {  	_ =	shalt  }
0x86: {  	_ =	shalt  }
0x87: {  	_ =	shalt  }
.Lfunc_end0:
.L_simem_size_0:
called_computation_lowered:
.L_overlay_start_0:
0x88: {  	s2 =	sld [smem:$0x3FD9]  }
0x89: {  	s3 =	sld [smem:$0x3FFE];
	_ =	sdelay $0x1  }
0x8a: {  	s1 =	srdreg.scid  }
0x8b: {  	s0 =	sand.u32 $0x1, s1  }
0x8c: {  	s17 =	sshll.u32 s0, $0xA;
	s2 =	sadd.s32 s3, s2  }
0x8d: {  	s2 =	sadd.s32 s2, s17  }
0x8e: {  	[smem:$0x3FBE] =	sst s2  }
0x8f: {  	_ = 	snop  }
0x90: {  	s2 =	sld [smem:$0x3FD0];
	(tm) =	ssettm $0x1  }
0x91: {  	s18 =	sld [smem:$0x3FFB];
	_ =	sdelay $0x3  }
0x92: {  	_ =	strace s18  }
0x93: {  	s3 =	sld [smem:$0x3FFC];
	_ =	sdelay $0x3  }
0x94: {  	_ =	strace s3  }
0x95: {  	s3 =	sld [smem:$0x3FFD];
	_ =	sdelay $0x3  }
0x96: {  	_ =	strace s3  }
0x97: {  	_ =	strace $0x8FFFFFFF  }
0x98: {  	s19 =	sld [smem:$0x3FDB];
	_ =	sdelay $0x1  }
0x99: {  	s4 =	simm.s32 $_scs_section_size  }
0x9a: {  	s5 =	simm.s32 $_size__tile_overlayer_lowered;
	s6 =	simm.s32 $_tile_overlayer_lowered  }
0x9b: {  	s22 =	simm.s32 $0x1BFF;
	s21 =	sshll.u32 s6, $0x1;
	s3 =	sadd.s32 s4, s19  }
0x9c: {  	s7 =	simm.s32 $0x0;
	s20 =	sshll.u32 s5, $0x1;
	s5 =	sadd.s32 s21, s3  }
0x9d: {  	[timem:s7], [sflag:s22] =	dma.local [hbm:s5], s20  }
0x9e: {  	_ =	swait.ge [sflag:s22], s20  }
0x9f: {  	s4 =	ssub.s32 $0x0, s20;
	[sflag:s22] =	ssyncset.done $0x0  }
0xa0: {  	[sflag:s22] =	ssyncadd.s32 s4;
	_ =	sdelay $0x1  }
0xa1: {  	s23 =	simm.s32 $0x1B8B  }
0xa2: {  	_ =	swait.ge [sflag:s23], $0x1  }
0xa3: {  	[sflag:s23] =	ssyncset.done $0x0  }
0xa4: {  	s25 =	simm.s32 $0x1B8E;
	s24 =	sld [smem:$0x3FFE];
	[sflag:s23] =	ssyncadd.s32 $0xFFFFFFFF  }
0xa5: {  	s26 =	simm.s32 $execute0_lowered;
	[smem:$0x3FD2] =	sst s25  }
0xa6: {  	s5 =	sshll.u32 s26, $0x1;
	_ =	strace $0x80000046;
	[dreg:$0x1] =	wrdreg $0xFFFFFFFF  }
0xa7: {  	s28 =	simm.s32 $_size_execute0_lowered;
	s3 =	sadd.s32 s3, s5;
	[dreg:$0x0] =	wrdreg $0x0  }
0xa8: {  	s5 =	sshll.u32 s28, $0x1;
	[dreg:$0x2] =	wrdreg s3  }
0xa9: {  	[dreg:$0x3] =	wrdreg s5  }
0xaa: {  	[dreg:$0x4] =	wrdreg $0xC0  }
0xab: {  	_ =	task [dreg:s7], $0x5FFFF  }
0xac: {  	[dreg:$0x1] =	wrdreg $0xFFFFFFFF  }
0xad: {  	[dreg:$0x0] =	wrdreg $0x60  }
0xae: {  	[dreg:$0x2] =	wrdreg s24  }
0xaf: {  	[dreg:$0x3] =	wrdreg s2  }
0xb0: {  	[dreg:$0x4] =	wrdreg $0x41000  }
0xb1: {  	[dreg:$0x5] =	wrdreg $0x9  }
0xb2: {  	_ =	task.clear_ibuf [dreg:s7], $0x6FFFF;
	_ =	strace $0x90000046  }
0xb3: {  	s29 =	simm.s32 $0x9;
	_ =	strace $0x80000048  }
0xb4: {  	_ =	swait.ge [sflag:s29], $0x1  }
0xb5: {  	[sflag:s29] =	ssyncadd.s32 $0xFFFFFFFF  }
0xb6: {  	_ =	strace $0x90000048  }
0xb7: {  	_ =	sfence  }
0xb8: {  	s30 =	sld [smem:$0x0];
	_ =	sdelay $0x2  }
0xb9: {  	s31 =	sshll.u32 s1, $0xD;
	s1 =	sshrl.u32 s1, $0x2  }
0xba: {  	s3 =	sand.u32 $0x4000, s31;
	s1 =	sadd.s32 s1, s30  }
0xbb: {  	s0 =	sor.u32 s3, s0;
	s1 =	sshll.u32 s1, $0x11  }
0xbc: {  	s0 =	sor.u32 s1, s0  }
0xbd: {  	s0 =	sadd.s32 $0x8F2B, s0  }
0xbe: {  	[sflag:s0] =	ssyncadd.remote.s32 $0x1  }
0xbf: {  	_ =	sfence.sel $0xFFFF  }
0xc0: {  	[dreg:$0x0] =	wrdreg $0xFFFFFFFF;
	(pc) =	sbr.abs _section_cstart, $3  }
0xc1: {  	[dreg:$0x1] =	wrdreg $0xFFFFFFFF  }
0xc2: {  	_ =	task.clear_ibuf [dreg:s7], $0x2FFFF;
	_ =	strace $0x9FFFFFFF  }
0xc3: {  	(tm) =	ssettm $0x7FFFFFFF  }
tec
execute0_lowered:
.L_overlay_start_1:
0x0: {  	(tag) =	ssettag $0x1  }
0x1: {  	s6 =	rddreg [dreg:$0x0]  }
0x2: {  	s2 =	rddreg [dreg:$0x1];
	s0 =	srdreg.scid  }
0x3: {  	s3 =	rddreg [dreg:$0x2];
	s1 =	stileid.u32  }
0x4: {  	s4 =	simm.s32 $0x0;
	s14 =	simm.s32 $0x100;
	s8 =	smul.u32 $0x13C00, s1  }
0x5: {  	s15 =	simm.s32 $0x1;
	s16 =	simm.s32 $0x0;
	s10 =	smul.u32 $0x4F000, s1  }
0x6: {  	s7 =	sand.u32 $0x1, s0;
	s0 =	rddreg [dreg:$0x3];
	s11 =	smul.u32 $0x4F0, s1  }
0x7: {  	[smem:$0x7FF] =	sst s4;
	s30 =	sshll.u32 s1, $0x6;
	s5 =	smul.u32 $0x13C000, s7  }
0x8: {  	_ =	strace $0x80000047;
	s9 =	smul.u32 $0x4F00, s7;
	s29 =	ssub.s32 $0x2, s7  }
0x9: {  	s7 =	sshrl.u32 s29, $0x1;
	s10 =	sshrl.u32 s10, $0x2;
	s8 =	sadd.s32 s8, s5  }
0xa: {  	s5 =	sadd.s32 $0x15E00, s6;
	s9 =	sadd.s32 s9, s6;
	s12 =	ssub.s32 s29, s7  }
0xb: {  	s13 =	sadd.s32 s10, s3;
	s8 =	sshrl.u32 s8, $0x3;
	s31 =	sadd.s32 s11, s9  }
0xc: {  	s11 =	sshrl.u32 s13, $0x3;
	s13 =	simm.s32 $0x80;
	s8 =	sadd.s32 s8, s6  }
0xd: {  	s6 =	sor.u32 $0x1C02, s30;
	s9 =	sadd.s32 $0xC000, s31;
	s10 =	sadd.s32 $0x2200, s31  }
0xe: {  	s7 =	sadd.s32 $0x3D000, s8;
	s8 =	smax.u32 s12, $0x1;
	s12 =	simm.s32 $0x2  }
.LBB2_1:
0xf: {  	[spmem:s11], [sflag:s6] =	dma.local [hbm:s2], $0x2780  }
0x10: {  	_ =	swait.ge [sflag:s12], $0x2780  }
0x11: {  	[sflag:s12] =	ssyncset.done $0x0  }
0x12: {  	[sflag:s12] =	ssyncadd.s32 $0xFFFFD880  }
0x13: {  	s17 =	sadd.s32 $0x0, s10;
	[bflag:$0x0] =	sbarrier.arrive $0xFFFF  }
0x14: {  	[tilespmem:s4], [sflag:$0x2] =	stream.linear.gather [hbm4b:s17+s4], $0x80, $0x38;
	[tilespmem:$0x17D00] =	vst v63  }
0x15: {  	_ =	swait.ge [sflag:s12], $0x80  }
0x16: {  	[sflag:s12] =	ssyncset.done $0x0  }
0x17: {  	[sflag:s12] =	ssyncadd.s32 $0xFFFFFF80  }
0x18: {  	[tilespmem:s14], [sflag:$0x1] =	stream.indirect.gather [hbm4b:s5+s13], $0x80, s4, s13, $0xb8;
	[tilespmem:$0x17D00] =	vst v63  }
0x19: {  	_ =	swait.ge [sflag:s15], $0x4000  }
0x1a: {  	[sflag:s15] =	ssyncset.done $0x0  }
0x1b: {  	s31 =	sadd.s32 $0x0, s9;
	[sflag:s15] =	ssyncadd.s32 $0xFFFFC000  }
0x1c: {  	[tilespmem:s13], [sflag:$0x2] =	stream.linear.gather [hbm4b:s31+s4], $0x80, $0x38;
	[tilespmem:$0x17D00] =	vst v63  }
0x1d: {  	_ =	swait.ge [sflag:s12], $0x80  }
0x1e: {  	[sflag:s12] =	ssyncset.done $0x0  }
0x1f: {  	[sflag:s12] =	ssyncadd.s32 $0xFFFFFF80  }
0x20: {  	[spmem:s3] =	stream.indirect.scatter.add.f32 [tilespmem:s14], [sflag:$0x2], $0x80, s13, s13, $0xb8;
	[tilespmem:$0x17D00] =	vst v63  }
0x21: {  	_ =	swait.ge [sflag:s12], $0x4000  }
0x22: {  	s18 =	simm.s32 $0x20;
	s17 =	simm.s32 $0x10;
	[sflag:s12] =	ssyncset.done $0x0  }
.LBB2_2:
0x23: {  	s19 =	sadd.s32 s17, s10  }
0x24: {  	[sflag:s12] =	ssyncadd.s32 $0xFFFFC000;
	s20 =	smov.u32 s18;
	s21 =	sadd.s32 $0x10, s18  }
0x25: {  	[tilespmem:s4], [sflag:$0x2] =	stream.linear.gather [hbm4b:s19+s4], $0x80, $0x38;
	[tilespmem:$0x17D00] =	vst v63  }
0x26: {  	p0 =	sne.s32 s18, $0x4E0;
	_ =	swait.ge [sflag:s12], $0x80  }
0x27: {  	[sflag:s12] =	ssyncset.done $0x0  }
0x28: {  	[sflag:s12] =	ssyncadd.s32 $0xFFFFFF80  }
0x29: {  	[tilespmem:s14], [sflag:$0x1] =	stream.indirect.gather [hbm4b:s5+s13], $0x80, s4, s13, $0xb8;
	[tilespmem:$0x17D00] =	vst v63  }
0x2a: {  	_ =	swait.ge [sflag:s15], $0x4000  }
0x2b: {  	[sflag:s15] =	ssyncset.done $0x0  }
0x2c: {  	s18 =	sadd.s32 s17, s9;
	s17 =	smov.u32 s20;
	[sflag:s15] =	ssyncadd.s32 $0xFFFFC000  }
0x2d: {  	[tilespmem:s13], [sflag:$0x2] =	stream.linear.gather [hbm4b:s18+s4], $0x80, $0x38;
	[tilespmem:$0x17D00] =	vst v63  }
0x2e: {  	_ =	swait.ge [sflag:s12], $0x80  }
.Ltmp0:
0x2f: {  	[sflag:s12] =	ssyncset.done $0x0;
	(pc) =	sbr.rel @p0 .LBB2_2-.Ltmp0, $4  }
0x30: {  	[sflag:s12] =	ssyncadd.s32 $0xFFFFFF80  }
0x31: {  	[spmem:s3] =	stream.indirect.scatter.add.f32 [tilespmem:s14], [sflag:$0x2], $0x80, s13, s13, $0xb8;
	[tilespmem:$0x17D00] =	vst v63  }
0x32: {  	_ =	swait.ge [sflag:s12], $0x4000  }
0x33: {  	s18 =	smov.u32 s21;
	[sflag:s12] =	ssyncset.done $0x0  }
0x34: {  	s18 =	sadd.s32 s17, s10;
	[sflag:s12] =	ssyncadd.s32 $0xFFFFC000  }
0x35: {  	[tilespmem:s4], [sflag:$0x2] =	stream.linear.gather [hbm4b:s18+s4], $0x80, $0x38;
	[tilespmem:$0x17D00] =	vst v63  }
0x36: {  	_ =	swait.ge [sflag:s12], $0x80  }
0x37: {  	[sflag:s12] =	ssyncset.done $0x0  }
0x38: {  	[sflag:s12] =	ssyncadd.s32 $0xFFFFFF80  }
0x39: {  	[tilespmem:s14], [sflag:$0x1] =	stream.indirect.gather [hbm4b:s5+s13], $0x80, s4, s13, $0xb8;
	[tilespmem:$0x17D00] =	vst v63  }
0x3a: {  	_ =	swait.ge [sflag:s15], $0x4000  }
0x3b: {  	[sflag:s15] =	ssyncset.done $0x0  }
0x3c: {  	s31 =	sadd.s32 s17, s9;
	[sflag:s15] =	ssyncadd.s32 $0xFFFFC000  }
0x3d: {  	[tilespmem:s13], [sflag:$0x2] =	stream.linear.gather [hbm4b:s31+s4], $0x80, $0x38;
	[tilespmem:$0x17D00] =	vst v63  }
0x3e: {  	_ =	swait.ge [sflag:s12], $0x80  }
0x3f: {  	[sflag:s12] =	ssyncset.done $0x0  }
0x40: {  	[sflag:s12] =	ssyncadd.s32 $0xFFFFFF80  }
0x41: {  	[spmem:s3] =	stream.indirect.scatter.add.f32 [tilespmem:s14], [sflag:$0x2], $0x80, s13, s13, $0xb8;
	[tilespmem:$0x17D00] =	vst v63  }
0x42: {  	_ =	swait.ge [sflag:s12], $0x4000  }
0x43: {  	s16 =	sadd.s32 $0x1, s16;
	[sflag:s12] =	ssyncset.done $0x0  }
0x44: {  	p0 =	sne.s32 s16, s8;
	[sflag:s12] =	ssyncadd.s32 $0xFFFFC000  }
.Ltmp1:
0x45: {  	[bflag:$0x0] =	sbarrier.arrive $0xFFFF;
	(pc) =	sbr.rel @p0 .LBB2_1-.Ltmp1, $4  }
0x46: {  	[hbm:s7], [sflag:s6] =	dma.local [spmem:s11], $0x2780  }
0x47: {  	_ =	swait.ge [sflag:s12], $0x2780  }
0x48: {  	[sflag:s12] =	ssyncset.done $0x0  }
0x49: {  	[sflag:s12] =	ssyncadd.s32 $0xFFFFD880  }
0x4a: {  	_ =	sfence.sel $0x180000  }
0x4b: {  	[bflag:$0x0] =	sbarrier.arrive $0xFFFF  }
0x4c: {  	p0 =	sne.s32 s1, $0x0;
	_ =	strace $0x90000047  }
0x4d: {  	s0 =	sadd.s32 @!p0 $0x100000, s0;
	[bflag:$0x2] =	sbarrier.arrive $0xFFFF  }
0x4e: {  	[sflag:s0] =	ssyncadd.tile.s32 @!p0 $0x1;
	_ =	shalt  }
.Lfunc_end2:
_tile_overlayer_lowered:
.L_overlay_start_2:
0x4f: {  	(tag) =	ssettag $0x2  }
0x50: {  	s0 =	rddreg [dreg:$0x0];
	s2 =	stileid.u32  }
0x51: {  	s1 =	rddreg [dreg:$0x1];
	p0 =	sne.s32 s2, $0x0  }
0x52: {  	s3 =	rddreg [dreg:$0x2];
	[bflag:$0x3] =	sbarrier.arrive $0xFFFF;
	s2 =	simm.s32 @!p0 $0x1C02  }
0x53: {  	[timem:s3], [sflag:s2] =	dma.local @!p0 [hbm:s0], s1  }
0x54: {  	s0 =	simm.s32 @!p0 $0x2  }
0x55: {  	_ =	swait.ge @!p0 [sflag:s0], s1  }
0x56: {  	s1 =	ssub.s32 @!p0 $0x0, s1;
	[sflag:s0] =	ssyncset.done @!p0 $0x0  }
0x57: {  	[sflag:s0] =	ssyncadd.s32 @!p0 s1  }
0x58: {  	[bflag:$0x3] =	sbarrier.arrive $0xFFFF  }
0x59: {  	_ =	shalt  }

</sc_bundles>
